<compile_context>
chip_gen: v7x
topology: tpu7x:2x2x1
jax: 0.10.2.dev20260603
libtpu: 0.0.44.dev20260713+nightly
codegen_flags: <defaults>
</compile_context>

<pallas_src>
import functools

import jax
import jax.numpy as jnp
from jax import lax
from jax.experimental import pallas as pl
from jax.experimental.pallas import tpu as pltpu
from jax.experimental.pallas import tpu_sc as plsc

_NUM_CORES = 1
_NUM_SUBCORES = 16
_LANES = 16
_NW = _NUM_CORES * _NUM_SUBCORES
_ROW = 128


@functools.partial(jax.jit, static_argnames=("n", "b"))
def _position_weights(values, offsets, position_weight, n, b):
    chunk = n // _NW
    vecs = chunk // _LANES
    rows = chunk // _ROW
    vecs_per_row = _ROW // _LANES
    mesh = plsc.VectorSubcoreMesh(
        core_axis_name="c", subcore_axis_name="s", num_cores=_NUM_CORES
    )

    @functools.partial(
        pl.kernel,
        mesh=mesh,
        out_type=(
            jax.ShapeDtypeStruct((n,), values.dtype),
            jax.ShapeDtypeStruct((b,), offsets.dtype),
            jax.ShapeDtypeStruct((n,), jnp.float32),
        ),
        compiler_params=pltpu.CompilerParams(needs_layout_passes=False),
        scratch_types=[
            pltpu.VMEM((_LANES,), jnp.int32),
            pltpu.VMEM((n,), jnp.float32),
            pltpu.VMEM((chunk,), jnp.int32),
            pltpu.VMEM((chunk,), jnp.float32),
            pltpu.SemaphoreType.DMA,
            pltpu.SemaphoreType.DMA,
            pltpu.SemaphoreType.DMA,
        ],
    )
    def body(values_hbm, offs_hbm, pw_hbm, vout_hbm, oout_hbm, out_hbm,
             offs_v, pw_v, seq_arr, out_v, tsem, osem, psem):
        wid = lax.axis_index("s") * _NUM_CORES + lax.axis_index("c")
        base = wid * chunk
        table_dma = pltpu.async_copy(pw_hbm, pw_v, tsem)
        pass_dma = pltpu.async_copy(
            values_hbm.at[pl.ds(base, chunk)], vout_hbm.at[pl.ds(base, chunk)], psem
        )
        offs_pass_dma = pltpu.async_copy(offs_hbm, oout_hbm, psem)
        pltpu.sync_copy(offs_hbm.at[pl.ds(0, _LANES)], offs_v)

        offs_vec = offs_v[...]
        zero = jnp.zeros((_LANES,), jnp.int32)

        def zero_step(v, carry):
            seq_arr[pl.ds(v * _LANES, _LANES)] = zero
            return carry

        lax.fori_loop(0, vecs, zero_step, 0)
        carry0 = jnp.max(jnp.where(offs_vec <= base, offs_vec, 0))
        in_tile = (offs_vec > base) & (offs_vec < base + chunk)
        plsc.store_scatter(seq_arr, [offs_vec - base], offs_vec, mask=in_tile)

        lane = lax.iota(jnp.int32, _LANES)

        def seq_step(v, carry):
            start = v * _LANES
            off = jnp.maximum(plsc.cummax(seq_arr[pl.ds(start, _LANES)]), carry)
            seq_arr[pl.ds(start, _LANES)] = lane + (base + start) - off
            return off[_LANES - 1]

        lax.fori_loop(0, vecs, seq_step, carry0)

        table_dma.wait()
        out_dmas = []
        for r in range(rows):
            for v in range(vecs_per_row):
                start = r * _ROW + v * _LANES
                out_v[start:start + _LANES] = plsc.load_gather(
                    pw_v, [seq_arr[start:start + _LANES]]
                )
            out_dmas.append(
                pltpu.async_copy(
                    out_v.at[pl.ds(r * _ROW, _ROW)],
                    out_hbm.at[pl.ds(base + r * _ROW, _ROW)],
                    osem,
                )
            )
        for d in out_dmas:
            d.wait()
        pass_dma.wait()
        offs_pass_dma.wait()

    return body(values, offsets, position_weight)


def kernel(values, offsets, position_weight):
    n = values.shape[0]
    b = offsets.shape[0]
    return _position_weights(values, offsets, position_weight, n, b)

# --- scband reference (transcript-rebuilt; emitter-appended) ---
"""Pipeline reference for scband-position-weighted-module-81423989997922 (READ-ONLY COPY).

The authoritative reference and input builder live on the scoring server;
editing this copy changes nothing except your own understanding.
"""

import jax, jax.numpy as jnp
import numpy as np

B = 16
N = 16384
MAX_FEATURE_LENGTH = 16384


def setup_inputs(seed: int = 0) -> dict:
    key = jax.random.key(seed)
    k1, k2 = jax.random.split(key, 2)
    # id-list feature values (ids); jagged layout flattened
    values = jax.random.randint(k1, (N,), 0, 1000000, dtype=jnp.int32)
    # offsets: sorted_randint then pinned to [0, ..., N] so they form valid cu_seqlens
    offsets = jnp.sort(jax.random.randint(k2, (B + 1,), 0, N, dtype=jnp.int32))
    offsets = offsets.at[0].set(0).at[-1].set(N)
    # learned parameter: position_weight, initialized to 1.0 per reset_parameters()
    position_weight = jnp.ones((MAX_FEATURE_LENGTH,), dtype=jnp.float32)
    return {"values": values, "offsets": offsets, "position_weight": position_weight}


def reference(values, offsets, position_weight):
    # Equivalent of torch.ops.fbgemm.offsets_range(offsets, numel(values)):
    # for each flat index j in [offsets[k], offsets[k+1]), seq[j] = j - offsets[k]
    n = values.shape[0]
    pos = jnp.arange(n, dtype=offsets.dtype)
    seg = jnp.searchsorted(offsets, pos, side='right') - 1
    seg = jnp.clip(seg, 0, offsets.shape[0] - 2)
    seq = pos - offsets[seg]
    # weights = gather(position_weight, seq)
    weights = jnp.take(position_weight, seq, axis=0)
    # JaggedTensor(values, offsets, weights) -> return all fields; weights is the new field
    return values, offsets, weights

if __name__ == "__main__":
    import jax
    _d = setup_inputs()
    print(jax.jit(kernel)(*tuple(_d.values())))

</pallas_src>

<mosaic_0001>
#map = affine_map<(d0, d1) -> (0)>
module attributes {stable_mosaic.version = 14 : i64} {
  func.func @body(%arg0: i32, %arg1: i32, %arg2: memref<16384xi32, #tpu.memory_space<hbm>>, %arg3: memref<17xi32, #tpu.memory_space<hbm>>, %arg4: memref<16384xf32, #tpu.memory_space<hbm>>, %arg5: memref<16384xi32, #tpu.memory_space<hbm>>, %arg6: memref<17xi32, #tpu.memory_space<hbm>>, %arg7: memref<16384xf32, #tpu.memory_space<hbm>>, %arg8: memref<16xi32, #tpu.memory_space<vmem>>, %arg9: memref<16384xf32, #tpu.memory_space<vmem>>, %arg10: memref<1024xi32, #tpu.memory_space<vmem>>, %arg11: memref<1024xf32, #tpu.memory_space<vmem>>, %arg12: memref<!tpu.dma_semaphore, #tpu.memory_space<semaphore_mem>>, %arg13: memref<!tpu.dma_semaphore, #tpu.memory_space<semaphore_mem>>, %arg14: memref<!tpu.dma_semaphore, #tpu.memory_space<semaphore_mem>>) attributes {dimension_semantics = [#tpu.dimension_semantics<core_parallel>, #tpu.dimension_semantics<subcore_parallel>], iteration_bounds = array<i64: 1, 16>, scalar_prefetch = 0 : i64, scratch_operands = 7 : i64, tpu.core_type = #tpu.core_type<sc_vector_subcore>, window_params = [{transform_indices = #map}, {transform_indices = #map}, {transform_indices = #map}, {transform_indices = #map}, {transform_indices = #map}, {transform_indices = #map}]} {
    %mul3A = arith.constant 1 : i32
    %mul3A_0 = arith.muli %arg1, %mul3A : i32
    %add3A = arith.addi %mul3A_0, %arg0 : i32
    %mul3A_1 = arith.constant 1024 : i32
    %mul3A_2 = arith.muli %add3A, %mul3A_1 : i32
    tpu.enqueue_dma source(%arg4 : memref<16384xf32, #tpu.memory_space<hbm>>) target(%arg9 : memref<16384xf32, #tpu.memory_space<vmem>>) target_semaphore(%arg12 : memref<!tpu.dma_semaphore, #tpu.memory_space<semaphore_mem>>)
    %dma_start3A = tpu.memref_slice %arg5[%mul3A_2] : memref<16384xi32, #tpu.memory_space<hbm>> -> memref<1024xi32, #tpu.memory_space<hbm>>
    %dma_start3A_3 = tpu.memref_slice %arg2[%mul3A_2] : memref<16384xi32, #tpu.memory_space<hbm>> -> memref<1024xi32, #tpu.memory_space<hbm>>
    tpu.enqueue_dma source(%dma_start3A_3 : memref<1024xi32, #tpu.memory_space<hbm>>) target(%dma_start3A : memref<1024xi32, #tpu.memory_space<hbm>>) target_semaphore(%arg14 : memref<!tpu.dma_semaphore, #tpu.memory_space<semaphore_mem>>)
    tpu.enqueue_dma source(%arg3 : memref<17xi32, #tpu.memory_space<hbm>>) target(%arg6 : memref<17xi32, #tpu.memory_space<hbm>>) target_semaphore(%arg14 : memref<!tpu.dma_semaphore, #tpu.memory_space<semaphore_mem>>)
    "tpu.region"() ({
      %run_scoped3A = tpu.sem_alloc : memref<!tpu.dma_semaphore, #tpu.memory_space<semaphore_mem>>
      %dma_start3A_462 = arith.constant 0 : i32
      %dma_start3A_463 = tpu.memref_slice %arg3[%dma_start3A_462] : memref<17xi32, #tpu.memory_space<hbm>> -> memref<16xi32, #tpu.memory_space<hbm>>
      %dma_start3A_464 = arith.constant 0 : i32
      %dma_start3A_465 = tpu.memref_slice %arg3[%dma_start3A_464] : memref<17xi32, #tpu.memory_space<hbm>> -> memref<16xi32, #tpu.memory_space<hbm>>
      tpu.enqueue_dma source(%dma_start3A_465 : memref<16xi32, #tpu.memory_space<hbm>>) target(%arg8 : memref<16xi32, #tpu.memory_space<vmem>>) target_semaphore(%run_scoped3A : memref<!tpu.dma_semaphore, #tpu.memory_space<semaphore_mem>>)
      %dma_wait3A_466 = arith.constant 0 : i32
      %dma_wait3A_467 = tpu.memref_slice %arg3[%dma_wait3A_466] : memref<17xi32, #tpu.memory_space<hbm>> -> memref<16xi32, #tpu.memory_space<hbm>>
      %dma_wait3A_468 = arith.constant 0 : i32
      %dma_wait3A_469 = tpu.memref_slice %arg3[%dma_wait3A_468] : memref<17xi32, #tpu.memory_space<hbm>> -> memref<16xi32, #tpu.memory_space<hbm>>
      tpu.wait_dma2 semaphore(%run_scoped3A : memref<!tpu.dma_semaphore, #tpu.memory_space<semaphore_mem>>) src(%dma_wait3A_469 : memref<16xi32, #tpu.memory_space<hbm>>) dst(%arg8 : memref<16xi32, #tpu.memory_space<vmem>>)
      tpu.yield
    }) : () -> ()
    %get3A = arith.constant 0 : index
    %get3A_4 = tpu.vector_load %arg8[%get3A] {strides = array<i32>} : memref<16xi32, #tpu.memory_space<vmem>>, vector<16xi32>,
    %broadcast_in_dim3A = arith.constant 0 : i32
    %broadcast_in_dim3A_5 = vector.broadcast %broadcast_in_dim3A : i32 to vector<16xi32>
    %scan3A = arith.constant 0 : i32
    %scan3A_6 = arith.constant 0 : i32
    %scan3A_7 = arith.constant 64 : i32
    %scan3A_8 = arith.addi %scan3A_6, %scan3A_7 : i32
    %scan3A_9 = arith.constant 1 : i32
    scf.for %scan3A_462 = %scan3A_6 to %scan3A_8 step %scan3A_9  : i32 {
      %mul3A_463 = arith.constant 16 : i32
      %mul3A_464 = arith.muli %scan3A_462, %mul3A_463 : i32
      %swap3A_465 = arith.index_cast %mul3A_464 : i32 to index
      %swap3A_466 = tpu.vector_load %arg10[%swap3A_465] {strides = array<i32>} : memref<1024xi32, #tpu.memory_space<vmem>>, vector<16xi32>,
      tpu.vector_store %arg10[%swap3A_465], %broadcast_in_dim3A_5 {strides = array<i32>} : memref<1024xi32, #tpu.memory_space<vmem>>, vector<16xi32>,
    }
    %scan3A_10 = arith.constant 64 : i32
    %le3A = vector.broadcast %mul3A_2 : i32 to vector<16xi32>
    %le3A_11 = arith.cmpi sle, %get3A_4, %le3A : vector<16xi32>
    %jit3A = arith.constant 0 : i32
    %broadcast_in_dim3A_12 = vector.broadcast %jit3A : i32 to vector<16xi32>
    %select_n3A = arith.select %le3A_11, %get3A_4, %broadcast_in_dim3A_12 : vector<16xi1>, vector<16xi32>
    %reduce_max3A = arith.constant true
    %reduce_max3A_13 = vector.broadcast %reduce_max3A : i1 to vector<16xi1>
    %reduce_max3A_14 = arith.constant -2147483648 : i32
    %reduce_max3A_15 = vector.broadcast %reduce_max3A_14 : i32 to vector<16xi32>
    %reduce_max3A_16 = arith.xori %select_n3A, %reduce_max3A_15 : vector<16xi32>
    %reduce_max3A_17 = tpu.scan <max>, %reduce_max3A_16 masked %reduce_max3A_13 : vector<16xi32>, vector<16xi1> -> vector<16xi32>
    %reduce_max3A_18 = arith.xori %reduce_max3A_17, %reduce_max3A_15 : vector<16xi32>
    %reduce_max3A_19 = vector.extract %reduce_max3A_18[15] : i32 from vector<16xi32>
    %gt3A = vector.broadcast %mul3A_2 : i32 to vector<16xi32>
    %gt3A_20 = arith.cmpi sgt, %get3A_4, %gt3A : vector<16xi32>
    %add3A_21 = arith.constant 1024 : i32
    %add3A_22 = arith.addi %mul3A_2, %add3A_21 : i32
    %lt3A = vector.broadcast %add3A_22 : i32 to vector<16xi32>
    %lt3A_23 = arith.cmpi slt, %get3A_4, %lt3A : vector<16xi32>
    %and3A = arith.andi %gt3A_20, %lt3A_23 : vector<16xi1>
    %sub3A = vector.broadcast %mul3A_2 : i32 to vector<16xi32>
    %sub3A_24 = arith.subi %get3A_4, %sub3A : vector<16xi32>
    tpu.vector_store_idx %arg10[%sub3A_24], %get3A_4 masked %and3A : memref<1024xi32, #tpu.memory_space<vmem>>[vector<16xi32>], vector<16xi32>, vector<16xi1>
    %iota3A = tpu.iota {dimensions = array<i32: 0>} : vector<16xi32>
    %scan3A_25 = arith.constant 0 : i32
    %scan3A_26 = arith.constant 64 : i32
    %scan3A_27 = arith.addi %scan3A_25, %scan3A_26 : i32
    %scan3A_28 = arith.constant 1 : i32
    %scan3A_29 = scf.for %scan3A_462 = %scan3A_25 to %scan3A_27 step %scan3A_28 iter_args(%scan3A_463 = %reduce_max3A_19) -> (i32)  : i32 {
      %mul3A_464 = arith.constant 16 : i32
      %mul3A_465 = arith.muli %scan3A_462, %mul3A_464 : i32
      %get3A_466 = arith.index_cast %mul3A_465 : i32 to index
      %get3A_467 = tpu.vector_load %arg10[%get3A_466] {strides = array<i32>} : memref<1024xi32, #tpu.memory_space<vmem>>, vector<16xi32>,
      %broadcast_in_dim3A_468 = arith.constant true
      %broadcast_in_dim3A_469 = vector.broadcast %broadcast_in_dim3A_468 : i1 to vector<16xi1>
      %masked_cummax3A = arith.constant -2147483648 : i32
      %masked_cummax3A_470 = vector.broadcast %masked_cummax3A : i32 to vector<16xi32>
      %masked_cummax3A_471 = arith.xori %get3A_467, %masked_cummax3A_470 : vector<16xi32>
      %masked_cummax3A_472 = tpu.scan <max>, %masked_cummax3A_471 masked %broadcast_in_dim3A_469 : vector<16xi32>, vector<16xi1> -> vector<16xi32>
      %masked_cummax3A_473 = arith.xori %masked_cummax3A_472, %masked_cummax3A_470 : vector<16xi32>
      %max3A = vector.broadcast %scan3A_463 : i32 to vector<16xi32>
      %max3A_474 = arith.maxsi %masked_cummax3A_473, %max3A : vector<16xi32>
      %add3A_475 = arith.addi %mul3A_2, %mul3A_465 : i32
      %add3A_476 = vector.broadcast %add3A_475 : i32 to vector<16xi32>
      %add3A_477 = arith.addi %iota3A, %add3A_476 : vector<16xi32>
      %sub3A_478 = arith.subi %add3A_477, %max3A_474 : vector<16xi32>
      %swap3A_479 = arith.index_cast %mul3A_465 : i32 to index
      %swap3A_480 = tpu.vector_load %arg10[%swap3A_479] {strides = array<i32>} : memref<1024xi32, #tpu.memory_space<vmem>>, vector<16xi32>,
      tpu.vector_store %arg10[%swap3A_479], %sub3A_478 {strides = array<i32>} : memref<1024xi32, #tpu.memory_space<vmem>>, vector<16xi32>,
      %slice3A = vector.extract_strided_slice %max3A_474 {offsets = [15], sizes = [1], strides = [1]} : vector<16xi32> to vector<1xi32>
      %squeeze3A = vector.extract %slice3A[0] : i32 from vector<1xi32>
      scf.yield %squeeze3A : i32
    }
    %scan3A_30 = arith.constant 64 : i32
    tpu.wait_dma2 semaphore(%arg12 : memref<!tpu.dma_semaphore, #tpu.memory_space<semaphore_mem>>) src(%arg4 : memref<16384xf32, #tpu.memory_space<hbm>>) dst(%arg9 : memref<16384xf32, #tpu.memory_space<vmem>>)
    %get3A_31 = arith.constant 0 : index
    %get3A_32 = tpu.vector_load %arg10[%get3A_31] {strides = array<i32>} : memref<1024xi32, #tpu.memory_space<vmem>>, vector<16xi32>,
    %gather3A = tpu.vector_load_idx %arg9[%get3A_32] : memref<16384xf32, #tpu.memory_space<vmem>>[vector<16xi32>], vector<16xf32>,
    %swap3A = arith.constant 0 : index
    %swap3A_33 = tpu.vector_load %arg11[%swap3A] {strides = array<i32>} : memref<1024xf32, #tpu.memory_space<vmem>>, vector<16xf32>,
    tpu.vector_store %arg11[%swap3A], %gather3A {strides = array<i32>} : memref<1024xf32, #tpu.memory_space<vmem>>, vector<16xf32>,
    %get3A_34 = arith.constant 16 : index
    %get3A_35 = tpu.vector_load %arg10[%get3A_34] {strides = array<i32>} : memref<1024xi32, #tpu.memory_space<vmem>>, vector<16xi32>,
    %gather3A_36 = tpu.vector_load_idx %arg9[%get3A_35] : memref<16384xf32, #tpu.memory_space<vmem>>[vector<16xi32>], vector<16xf32>,
    %swap3A_37 = arith.constant 16 : index
    %swap3A_38 = tpu.vector_load %arg11[%swap3A_37] {strides = array<i32>} : memref<1024xf32, #tpu.memory_space<vmem>>, vector<16xf32>,
    tpu.vector_store %arg11[%swap3A_37], %gather3A_36 {strides = array<i32>} : memref<1024xf32, #tpu.memory_space<vmem>>, vector<16xf32>,
    %get3A_39 = arith.constant 32 : index
    %get3A_40 = tpu.vector_load %arg10[%get3A_39] {strides = array<i32>} : memref<1024xi32, #tpu.memory_space<vmem>>, vector<16xi32>,
    %gather3A_41 = tpu.vector_load_idx %arg9[%get3A_40] : memref<16384xf32, #tpu.memory_space<vmem>>[vector<16xi32>], vector<16xf32>,
    %swap3A_42 = arith.constant 32 : index
    %swap3A_43 = tpu.vector_load %arg11[%swap3A_42] {strides = array<i32>} : memref<1024xf32, #tpu.memory_space<vmem>>, vector<16xf32>,
    tpu.vector_store %arg11[%swap3A_42], %gather3A_41 {strides = array<i32>} : memref<1024xf32, #tpu.memory_space<vmem>>, vector<16xf32>,
    %get3A_44 = arith.constant 48 : index
    %get3A_45 = tpu.vector_load %arg10[%get3A_44] {strides = array<i32>} : memref<1024xi32, #tpu.memory_space<vmem>>, vector<16xi32>,
    %gather3A_46 = tpu.vector_load_idx %arg9[%get3A_45] : memref<16384xf32, #tpu.memory_space<vmem>>[vector<16xi32>], vector<16xf32>,
    %swap3A_47 = arith.constant 48 : index
    %swap3A_48 = tpu.vector_load %arg11[%swap3A_47] {strides = array<i32>} : memref<1024xf32, #tpu.memory_space<vmem>>, vector<16xf32>,
    tpu.vector_store %arg11[%swap3A_47], %gather3A_46 {strides = array<i32>} : memref<1024xf32, #tpu.memory_space<vmem>>, vector<16xf32>,
    %get3A_49 = arith.constant 64 : index
    %get3A_50 = tpu.vector_load %arg10[%get3A_49] {strides = array<i32>} : memref<1024xi32, #tpu.memory_space<vmem>>, vector<16xi32>,
    %gather3A_51 = tpu.vector_load_idx %arg9[%get3A_50] : memref<16384xf32, #tpu.memory_space<vmem>>[vector<16xi32>], vector<16xf32>,
    %swap3A_52 = arith.constant 64 : index
    %swap3A_53 = tpu.vector_load %arg11[%swap3A_52] {strides = array<i32>} : memref<1024xf32, #tpu.memory_space<vmem>>, vector<16xf32>,
    tpu.vector_store %arg11[%swap3A_52], %gather3A_51 {strides = array<i32>} : memref<1024xf32, #tpu.memory_space<vmem>>, vector<16xf32>,
    %get3A_54 = arith.constant 80 : index
    %get3A_55 = tpu.vector_load %arg10[%get3A_54] {strides = array<i32>} : memref<1024xi32, #tpu.memory_space<vmem>>, vector<16xi32>,
    %gather3A_56 = tpu.vector_load_idx %arg9[%get3A_55] : memref<16384xf32, #tpu.memory_space<vmem>>[vector<16xi32>], vector<16xf32>,
    %swap3A_57 = arith.constant 80 : index
    %swap3A_58 = tpu.vector_load %arg11[%swap3A_57] {strides = array<i32>} : memref<1024xf32, #tpu.memory_space<vmem>>, vector<16xf32>,
    tpu.vector_store %arg11[%swap3A_57], %gather3A_56 {strides = array<i32>} : memref<1024xf32, #tpu.memory_space<vmem>>, vector<16xf32>,
    %get3A_59 = arith.constant 96 : index
    %get3A_60 = tpu.vector_load %arg10[%get3A_59] {strides = array<i32>} : memref<1024xi32, #tpu.memory_space<vmem>>, vector<16xi32>,
    %gather3A_61 = tpu.vector_load_idx %arg9[%get3A_60] : memref<16384xf32, #tpu.memory_space<vmem>>[vector<16xi32>], vector<16xf32>,
    %swap3A_62 = arith.constant 96 : index
    %swap3A_63 = tpu.vector_load %arg11[%swap3A_62] {strides = array<i32>} : memref<1024xf32, #tpu.memory_space<vmem>>, vector<16xf32>,
    tpu.vector_store %arg11[%swap3A_62], %gather3A_61 {strides = array<i32>} : memref<1024xf32, #tpu.memory_space<vmem>>, vector<16xf32>,
    %get3A_64 = arith.constant 112 : index
    %get3A_65 = tpu.vector_load %arg10[%get3A_64] {strides = array<i32>} : memref<1024xi32, #tpu.memory_space<vmem>>, vector<16xi32>,
    %gather3A_66 = tpu.vector_load_idx %arg9[%get3A_65] : memref<16384xf32, #tpu.memory_space<vmem>>[vector<16xi32>], vector<16xf32>,
    %swap3A_67 = arith.constant 112 : index
    %swap3A_68 = tpu.vector_load %arg11[%swap3A_67] {strides = array<i32>} : memref<1024xf32, #tpu.memory_space<vmem>>, vector<16xf32>,
    tpu.vector_store %arg11[%swap3A_67], %gather3A_66 {strides = array<i32>} : memref<1024xf32, #tpu.memory_space<vmem>>, vector<16xf32>,
    %add3A_69 = arith.constant 0 : i32
    %add3A_70 = arith.addi %mul3A_2, %add3A_69 : i32
    %dma_start3A_71 = arith.constant 0 : i32
    %dma_start3A_72 = tpu.memref_slice %arg11[%dma_start3A_71] : memref<1024xf32, #tpu.memory_space<vmem>> -> memref<128xf32, #tpu.memory_space<vmem>>
    %dma_start3A_73 = tpu.memref_slice %arg7[%add3A_70] : memref<16384xf32, #tpu.memory_space<hbm>> -> memref<128xf32, #tpu.memory_space<hbm>>
    %dma_start3A_74 = tpu.memref_slice %arg7[%add3A_70] : memref<16384xf32, #tpu.memory_space<hbm>> -> memref<128xf32, #tpu.memory_space<hbm>>
    %dma_start3A_75 = arith.constant 0 : i32
    %dma_start3A_76 = tpu.memref_slice %arg11[%dma_start3A_75] : memref<1024xf32, #tpu.memory_space<vmem>> -> memref<128xf32, #tpu.memory_space<vmem>>
    tpu.enqueue_dma source(%dma_start3A_76 : memref<128xf32, #tpu.memory_space<vmem>>) target(%dma_start3A_74 : memref<128xf32, #tpu.memory_space<hbm>>) target_semaphore(%arg13 : memref<!tpu.dma_semaphore, #tpu.memory_space<semaphore_mem>>)
    %get3A_77 = arith.constant 128 : index
    %get3A_78 = tpu.vector_load %arg10[%get3A_77] {strides = array<i32>} : memref<1024xi32, #tpu.memory_space<vmem>>, vector<16xi32>,
    %gather3A_79 = tpu.vector_load_idx %arg9[%get3A_78] : memref<16384xf32, #tpu.memory_space<vmem>>[vector<16xi32>], vector<16xf32>,
    %swap3A_80 = arith.constant 128 : index
    %swap3A_81 = tpu.vector_load %arg11[%swap3A_80] {strides = array<i32>} : memref<1024xf32, #tpu.memory_space<vmem>>, vector<16xf32>,
    tpu.vector_store %arg11[%swap3A_80], %gather3A_79 {strides = array<i32>} : memref<1024xf32, #tpu.memory_space<vmem>>, vector<16xf32>,
    %get3A_82 = arith.constant 144 : index
    %get3A_83 = tpu.vector_load %arg10[%get3A_82] {strides = array<i32>} : memref<1024xi32, #tpu.memory_space<vmem>>, vector<16xi32>,
    %gather3A_84 = tpu.vector_load_idx %arg9[%get3A_83] : memref<16384xf32, #tpu.memory_space<vmem>>[vector<16xi32>], vector<16xf32>,
    %swap3A_85 = arith.constant 144 : index
    %swap3A_86 = tpu.vector_load %arg11[%swap3A_85] {strides = array<i32>} : memref<1024xf32, #tpu.memory_space<vmem>>, vector<16xf32>,
    tpu.vector_store %arg11[%swap3A_85], %gather3A_84 {strides = array<i32>} : memref<1024xf32, #tpu.memory_space<vmem>>, vector<16xf32>,
    %get3A_87 = arith.constant 160 : index
    %get3A_88 = tpu.vector_load %arg10[%get3A_87] {strides = array<i32>} : memref<1024xi32, #tpu.memory_space<vmem>>, vector<16xi32>,
    %gather3A_89 = tpu.vector_load_idx %arg9[%get3A_88] : memref<16384xf32, #tpu.memory_space<vmem>>[vector<16xi32>], vector<16xf32>,
    %swap3A_90 = arith.constant 160 : index
    %swap3A_91 = tpu.vector_load %arg11[%swap3A_90] {strides = array<i32>} : memref<1024xf32, #tpu.memory_space<vmem>>, vector<16xf32>,
    tpu.vector_store %arg11[%swap3A_90], %gather3A_89 {strides = array<i32>} : memref<1024xf32, #tpu.memory_space<vmem>>, vector<16xf32>,
    %get3A_92 = arith.constant 176 : index
    %get3A_93 = tpu.vector_load %arg10[%get3A_92] {strides = array<i32>} : memref<1024xi32, #tpu.memory_space<vmem>>, vector<16xi32>,
    %gather3A_94 = tpu.vector_load_idx %arg9[%get3A_93] : memref<16384xf32, #tpu.memory_space<vmem>>[vector<16xi32>], vector<16xf32>,
    %swap3A_95 = arith.constant 176 : index
    %swap3A_96 = tpu.vector_load %arg11[%swap3A_95] {strides = array<i32>} : memref<1024xf32, #tpu.memory_space<vmem>>, vector<16xf32>,
    tpu.vector_store %arg11[%swap3A_95], %gather3A_94 {strides = array<i32>} : memref<1024xf32, #tpu.memory_space<vmem>>, vector<16xf32>,
    %get3A_97 = arith.constant 192 : index
    %get3A_98 = tpu.vector_load %arg10[%get3A_97] {strides = array<i32>} : memref<1024xi32, #tpu.memory_space<vmem>>, vector<16xi32>,
    %gather3A_99 = tpu.vector_load_idx %arg9[%get3A_98] : memref<16384xf32, #tpu.memory_space<vmem>>[vector<16xi32>], vector<16xf32>,
    %swap3A_100 = arith.constant 192 : index
    %swap3A_101 = tpu.vector_load %arg11[%swap3A_100] {strides = array<i32>} : memref<1024xf32, #tpu.memory_space<vmem>>, vector<16xf32>,
    tpu.vector_store %arg11[%swap3A_100], %gather3A_99 {strides = array<i32>} : memref<1024xf32, #tpu.memory_space<vmem>>, vector<16xf32>,
    %get3A_102 = arith.constant 208 : index
    %get3A_103 = tpu.vector_load %arg10[%get3A_102] {strides = array<i32>} : memref<1024xi32, #tpu.memory_space<vmem>>, vector<16xi32>,
    %gather3A_104 = tpu.vector_load_idx %arg9[%get3A_103] : memref<16384xf32, #tpu.memory_space<vmem>>[vector<16xi32>], vector<16xf32>,
    %swap3A_105 = arith.constant 208 : index
    %swap3A_106 = tpu.vector_load %arg11[%swap3A_105] {strides = array<i32>} : memref<1024xf32, #tpu.memory_space<vmem>>, vector<16xf32>,
    tpu.vector_store %arg11[%swap3A_105], %gather3A_104 {strides = array<i32>} : memref<1024xf32, #tpu.memory_space<vmem>>, vector<16xf32>,
    %get3A_107 = arith.constant 224 : index
    %get3A_108 = tpu.vector_load %arg10[%get3A_107] {strides = array<i32>} : memref<1024xi32, #tpu.memory_space<vmem>>, vector<16xi32>,
    %gather3A_109 = tpu.vector_load_idx %arg9[%get3A_108] : memref<16384xf32, #tpu.memory_space<vmem>>[vector<16xi32>], vector<16xf32>,
    %swap3A_110 = arith.constant 224 : index
    %swap3A_111 = tpu.vector_load %arg11[%swap3A_110] {strides = array<i32>} : memref<1024xf32, #tpu.memory_space<vmem>>, vector<16xf32>,
    tpu.vector_store %arg11[%swap3A_110], %gather3A_109 {strides = array<i32>} : memref<1024xf32, #tpu.memory_space<vmem>>, vector<16xf32>,
    %get3A_112 = arith.constant 240 : index
    %get3A_113 = tpu.vector_load %arg10[%get3A_112] {strides = array<i32>} : memref<1024xi32, #tpu.memory_space<vmem>>, vector<16xi32>,
    %gather3A_114 = tpu.vector_load_idx %arg9[%get3A_113] : memref<16384xf32, #tpu.memory_space<vmem>>[vector<16xi32>], vector<16xf32>,
    %swap3A_115 = arith.constant 240 : index
    %swap3A_116 = tpu.vector_load %arg11[%swap3A_115] {strides = array<i32>} : memref<1024xf32, #tpu.memory_space<vmem>>, vector<16xf32>,
    tpu.vector_store %arg11[%swap3A_115], %gather3A_114 {strides = array<i32>} : memref<1024xf32, #tpu.memory_space<vmem>>, vector<16xf32>,
    %add3A_117 = arith.constant 128 : i32
    %add3A_118 = arith.addi %mul3A_2, %add3A_117 : i32
    %dma_start3A_119 = arith.constant 128 : i32
    %dma_start3A_120 = tpu.memref_slice %arg11[%dma_start3A_119] : memref<1024xf32, #tpu.memory_space<vmem>> -> memref<128xf32, #tpu.memory_space<vmem>>
    %dma_start3A_121 = tpu.memref_slice %arg7[%add3A_118] : memref<16384xf32, #tpu.memory_space<hbm>> -> memref<128xf32, #tpu.memory_space<hbm>>
    %dma_start3A_122 = tpu.memref_slice %arg7[%add3A_118] : memref<16384xf32, #tpu.memory_space<hbm>> -> memref<128xf32, #tpu.memory_space<hbm>>
    %dma_start3A_123 = arith.constant 128 : i32
    %dma_start3A_124 = tpu.memref_slice %arg11[%dma_start3A_123] : memref<1024xf32, #tpu.memory_space<vmem>> -> memref<128xf32, #tpu.memory_space<vmem>>
    tpu.enqueue_dma source(%dma_start3A_124 : memref<128xf32, #tpu.memory_space<vmem>>) target(%dma_start3A_122 : memref<128xf32, #tpu.memory_space<hbm>>) target_semaphore(%arg13 : memref<!tpu.dma_semaphore, #tpu.memory_space<semaphore_mem>>)
    %get3A_125 = arith.constant 256 : index
    %get3A_126 = tpu.vector_load %arg10[%get3A_125] {strides = array<i32>} : memref<1024xi32, #tpu.memory_space<vmem>>, vector<16xi32>,
    %gather3A_127 = tpu.vector_load_idx %arg9[%get3A_126] : memref<16384xf32, #tpu.memory_space<vmem>>[vector<16xi32>], vector<16xf32>,
    %swap3A_128 = arith.constant 256 : index
    %swap3A_129 = tpu.vector_load %arg11[%swap3A_128] {strides = array<i32>} : memref<1024xf32, #tpu.memory_space<vmem>>, vector<16xf32>,
    tpu.vector_store %arg11[%swap3A_128], %gather3A_127 {strides = array<i32>} : memref<1024xf32, #tpu.memory_space<vmem>>, vector<16xf32>,
    %get3A_130 = arith.constant 272 : index
    %get3A_131 = tpu.vector_load %arg10[%get3A_130] {strides = array<i32>} : memref<1024xi32, #tpu.memory_space<vmem>>, vector<16xi32>,
    %gather3A_132 = tpu.vector_load_idx %arg9[%get3A_131] : memref<16384xf32, #tpu.memory_space<vmem>>[vector<16xi32>], vector<16xf32>,
    %swap3A_133 = arith.constant 272 : index
    %swap3A_134 = tpu.vector_load %arg11[%swap3A_133] {strides = array<i32>} : memref<1024xf32, #tpu.memory_space<vmem>>, vector<16xf32>,
    tpu.vector_store %arg11[%swap3A_133], %gather3A_132 {strides = array<i32>} : memref<1024xf32, #tpu.memory_space<vmem>>, vector<16xf32>,
    %get3A_135 = arith.constant 288 : index
    %get3A_136 = tpu.vector_load %arg10[%get3A_135] {strides = array<i32>} : memref<1024xi32, #tpu.memory_space<vmem>>, vector<16xi32>,
    %gather3A_137 = tpu.vector_load_idx %arg9[%get3A_136] : memref<16384xf32, #tpu.memory_space<vmem>>[vector<16xi32>], vector<16xf32>,
    %swap3A_138 = arith.constant 288 : index
    %swap3A_139 = tpu.vector_load %arg11[%swap3A_138] {strides = array<i32>} : memref<1024xf32, #tpu.memory_space<vmem>>, vector<16xf32>,
    tpu.vector_store %arg11[%swap3A_138], %gather3A_137 {strides = array<i32>} : memref<1024xf32, #tpu.memory_space<vmem>>, vector<16xf32>,
    %get3A_140 = arith.constant 304 : index
    %get3A_141 = tpu.vector_load %arg10[%get3A_140] {strides = array<i32>} : memref<1024xi32, #tpu.memory_space<vmem>>, vector<16xi32>,
    %gather3A_142 = tpu.vector_load_idx %arg9[%get3A_141] : memref<16384xf32, #tpu.memory_space<vmem>>[vector<16xi32>], vector<16xf32>,
    %swap3A_143 = arith.constant 304 : index
    %swap3A_144 = tpu.vector_load %arg11[%swap3A_143] {strides = array<i32>} : memref<1024xf32, #tpu.memory_space<vmem>>, vector<16xf32>,
    tpu.vector_store %arg11[%swap3A_143], %gather3A_142 {strides = array<i32>} : memref<1024xf32, #tpu.memory_space<vmem>>, vector<16xf32>,
    %get3A_145 = arith.constant 320 : index
    %get3A_146 = tpu.vector_load %arg10[%get3A_145] {strides = array<i32>} : memref<1024xi32, #tpu.memory_space<vmem>>, vector<16xi32>,
    %gather3A_147 = tpu.vector_load_idx %arg9[%get3A_146] : memref<16384xf32, #tpu.memory_space<vmem>>[vector<16xi32>], vector<16xf32>,
    %swap3A_148 = arith.constant 320 : index
    %swap3A_149 = tpu.vector_load %arg11[%swap3A_148] {strides = array<i32>} : memref<1024xf32, #tpu.memory_space<vmem>>, vector<16xf32>,
    tpu.vector_store %arg11[%swap3A_148], %gather3A_147 {strides = array<i32>} : memref<1024xf32, #tpu.memory_space<vmem>>, vector<16xf32>,
    %get3A_150 = arith.constant 336 : index
    %get3A_151 = tpu.vector_load %arg10[%get3A_150] {strides = array<i32>} : memref<1024xi32, #tpu.memory_space<vmem>>, vector<16xi32>,
    %gather3A_152 = tpu.vector_load_idx %arg9[%get3A_151] : memref<16384xf32, #tpu.memory_space<vmem>>[vector<16xi32>], vector<16xf32>,
    %swap3A_153 = arith.constant 336 : index
    %swap3A_154 = tpu.vector_load %arg11[%swap3A_153] {strides = array<i32>} : memref<1024xf32, #tpu.memory_space<vmem>>, vector<16xf32>,
    tpu.vector_store %arg11[%swap3A_153], %gather3A_152 {strides = array<i32>} : memref<1024xf32, #tpu.memory_space<vmem>>, vector<16xf32>,
    %get3A_155 = arith.constant 352 : index
    %get3A_156 = tpu.vector_load %arg10[%get3A_155] {strides = array<i32>} : memref<1024xi32, #tpu.memory_space<vmem>>, vector<16xi32>,
    %gather3A_157 = tpu.vector_load_idx %arg9[%get3A_156] : memref<16384xf32, #tpu.memory_space<vmem>>[vector<16xi32>], vector<16xf32>,
    %swap3A_158 = arith.constant 352 : index
    %swap3A_159 = tpu.vector_load %arg11[%swap3A_158] {strides = array<i32>} : memref<1024xf32, #tpu.memory_space<vmem>>, vector<16xf32>,
    tpu.vector_store %arg11[%swap3A_158], %gather3A_157 {strides = array<i32>} : memref<1024xf32, #tpu.memory_space<vmem>>, vector<16xf32>,
    %get3A_160 = arith.constant 368 : index
    %get3A_161 = tpu.vector_load %arg10[%get3A_160] {strides = array<i32>} : memref<1024xi32, #tpu.memory_space<vmem>>, vector<16xi32>,
    %gather3A_162 = tpu.vector_load_idx %arg9[%get3A_161] : memref<16384xf32, #tpu.memory_space<vmem>>[vector<16xi32>], vector<16xf32>,
    %swap3A_163 = arith.constant 368 : index
    %swap3A_164 = tpu.vector_load %arg11[%swap3A_163] {strides = array<i32>} : memref<1024xf32, #tpu.memory_space<vmem>>, vector<16xf32>,
    tpu.vector_store %arg11[%swap3A_163], %gather3A_162 {strides = array<i32>} : memref<1024xf32, #tpu.memory_space<vmem>>, vector<16xf32>,
    %add3A_165 = arith.constant 256 : i32
    %add3A_166 = arith.addi %mul3A_2, %add3A_165 : i32
    %dma_start3A_167 = arith.constant 256 : i32
    %dma_start3A_168 = tpu.memref_slice %arg11[%dma_start3A_167] : memref<1024xf32, #tpu.memory_space<vmem>> -> memref<128xf32, #tpu.memory_space<vmem>>
    %dma_start3A_169 = tpu.memref_slice %arg7[%add3A_166] : memref<16384xf32, #tpu.memory_space<hbm>> -> memref<128xf32, #tpu.memory_space<hbm>>
    %dma_start3A_170 = tpu.memref_slice %arg7[%add3A_166] : memref<16384xf32, #tpu.memory_space<hbm>> -> memref<128xf32, #tpu.memory_space<hbm>>
    %dma_start3A_171 = arith.constant 256 : i32
    %dma_start3A_172 = tpu.memref_slice %arg11[%dma_start3A_171] : memref<1024xf32, #tpu.memory_space<vmem>> -> memref<128xf32, #tpu.memory_space<vmem>>
    tpu.enqueue_dma source(%dma_start3A_172 : memref<128xf32, #tpu.memory_space<vmem>>) target(%dma_start3A_170 : memref<128xf32, #tpu.memory_space<hbm>>) target_semaphore(%arg13 : memref<!tpu.dma_semaphore, #tpu.memory_space<semaphore_mem>>)
    %get3A_173 = arith.constant 384 : index
    %get3A_174 = tpu.vector_load %arg10[%get3A_173] {strides = array<i32>} : memref<1024xi32, #tpu.memory_space<vmem>>, vector<16xi32>,
    %gather3A_175 = tpu.vector_load_idx %arg9[%get3A_174] : memref<16384xf32, #tpu.memory_space<vmem>>[vector<16xi32>], vector<16xf32>,
    %swap3A_176 = arith.constant 384 : index
    %swap3A_177 = tpu.vector_load %arg11[%swap3A_176] {strides = array<i32>} : memref<1024xf32, #tpu.memory_space<vmem>>, vector<16xf32>,
    tpu.vector_store %arg11[%swap3A_176], %gather3A_175 {strides = array<i32>} : memref<1024xf32, #tpu.memory_space<vmem>>, vector<16xf32>,
    %get3A_178 = arith.constant 400 : index
    %get3A_179 = tpu.vector_load %arg10[%get3A_178] {strides = array<i32>} : memref<1024xi32, #tpu.memory_space<vmem>>, vector<16xi32>,
    %gather3A_180 = tpu.vector_load_idx %arg9[%get3A_179] : memref<16384xf32, #tpu.memory_space<vmem>>[vector<16xi32>], vector<16xf32>,
    %swap3A_181 = arith.constant 400 : index
    %swap3A_182 = tpu.vector_load %arg11[%swap3A_181] {strides = array<i32>} : memref<1024xf32, #tpu.memory_space<vmem>>, vector<16xf32>,
    tpu.vector_store %arg11[%swap3A_181], %gather3A_180 {strides = array<i32>} : memref<1024xf32, #tpu.memory_space<vmem>>, vector<16xf32>,
    %get3A_183 = arith.constant 416 : index
    %get3A_184 = tpu.vector_load %arg10[%get3A_183] {strides = array<i32>} : memref<1024xi32, #tpu.memory_space<vmem>>, vector<16xi32>,
    %gather3A_185 = tpu.vector_load_idx %arg9[%get3A_184] : memref<16384xf32, #tpu.memory_space<vmem>>[vector<16xi32>], vector<16xf32>,
    %swap3A_186 = arith.constant 416 : index
    %swap3A_187 = tpu.vector_load %arg11[%swap3A_186] {strides = array<i32>} : memref<1024xf32, #tpu.memory_space<vmem>>, vector<16xf32>,
    tpu.vector_store %arg11[%swap3A_186], %gather3A_185 {strides = array<i32>} : memref<1024xf32, #tpu.memory_space<vmem>>, vector<16xf32>,
    %get3A_188 = arith.constant 432 : index
    %get3A_189 = tpu.vector_load %arg10[%get3A_188] {strides = array<i32>} : memref<1024xi32, #tpu.memory_space<vmem>>, vector<16xi32>,
    %gather3A_190 = tpu.vector_load_idx %arg9[%get3A_189] : memref<16384xf32, #tpu.memory_space<vmem>>[vector<16xi32>], vector<16xf32>,
    %swap3A_191 = arith.constant 432 : index
    %swap3A_192 = tpu.vector_load %arg11[%swap3A_191] {strides = array<i32>} : memref<1024xf32, #tpu.memory_space<vmem>>, vector<16xf32>,
    tpu.vector_store %arg11[%swap3A_191], %gather3A_190 {strides = array<i32>} : memref<1024xf32, #tpu.memory_space<vmem>>, vector<16xf32>,
    %get3A_193 = arith.constant 448 : index
    %get3A_194 = tpu.vector_load %arg10[%get3A_193] {strides = array<i32>} : memref<1024xi32, #tpu.memory_space<vmem>>, vector<16xi32>,
    %gather3A_195 = tpu.vector_load_idx %arg9[%get3A_194] : memref<16384xf32, #tpu.memory_space<vmem>>[vector<16xi32>], vector<16xf32>,
    %swap3A_196 = arith.constant 448 : index
    %swap3A_197 = tpu.vector_load %arg11[%swap3A_196] {strides = array<i32>} : memref<1024xf32, #tpu.memory_space<vmem>>, vector<16xf32>,
    tpu.vector_store %arg11[%swap3A_196], %gather3A_195 {strides = array<i32>} : memref<1024xf32, #tpu.memory_space<vmem>>, vector<16xf32>,
    %get3A_198 = arith.constant 464 : index
    %get3A_199 = tpu.vector_load %arg10[%get3A_198] {strides = array<i32>} : memref<1024xi32, #tpu.memory_space<vmem>>, vector<16xi32>,
    %gather3A_200 = tpu.vector_load_idx %arg9[%get3A_199] : memref<16384xf32, #tpu.memory_space<vmem>>[vector<16xi32>], vector<16xf32>,
    %swap3A_201 = arith.constant 464 : index
    %swap3A_202 = tpu.vector_load %arg11[%swap3A_201] {strides = array<i32>} : memref<1024xf32, #tpu.memory_space<vmem>>, vector<16xf32>,
    tpu.vector_store %arg11[%swap3A_201], %gather3A_200 {strides = array<i32>} : memref<1024xf32, #tpu.memory_space<vmem>>, vector<16xf32>,
    %get3A_203 = arith.constant 480 : index
    %get3A_204 = tpu.vector_load %arg10[%get3A_203] {strides = array<i32>} : memref<1024xi32, #tpu.memory_space<vmem>>, vector<16xi32>,
    %gather3A_205 = tpu.vector_load_idx %arg9[%get3A_204] : memref<16384xf32, #tpu.memory_space<vmem>>[vector<16xi32>], vector<16xf32>,
    %swap3A_206 = arith.constant 480 : index
    %swap3A_207 = tpu.vector_load %arg11[%swap3A_206] {strides = array<i32>} : memref<1024xf32, #tpu.memory_space<vmem>>, vector<16xf32>,
    tpu.vector_store %arg11[%swap3A_206], %gather3A_205 {strides = array<i32>} : memref<1024xf32, #tpu.memory_space<vmem>>, vector<16xf32>,
    %get3A_208 = arith.constant 496 : index
    %get3A_209 = tpu.vector_load %arg10[%get3A_208] {strides = array<i32>} : memref<1024xi32, #tpu.memory_space<vmem>>, vector<16xi32>,
    %gather3A_210 = tpu.vector_load_idx %arg9[%get3A_209] : memref<16384xf32, #tpu.memory_space<vmem>>[vector<16xi32>], vector<16xf32>,
    %swap3A_211 = arith.constant 496 : index
    %swap3A_212 = tpu.vector_load %arg11[%swap3A_211] {strides = array<i32>} : memref<1024xf32, #tpu.memory_space<vmem>>, vector<16xf32>,
    tpu.vector_store %arg11[%swap3A_211], %gather3A_210 {strides = array<i32>} : memref<1024xf32, #tpu.memory_space<vmem>>, vector<16xf32>,
    %add3A_213 = arith.constant 384 : i32
    %add3A_214 = arith.addi %mul3A_2, %add3A_213 : i32
    %dma_start3A_215 = arith.constant 384 : i32
    %dma_start3A_216 = tpu.memref_slice %arg11[%dma_start3A_215] : memref<1024xf32, #tpu.memory_space<vmem>> -> memref<128xf32, #tpu.memory_space<vmem>>
    %dma_start3A_217 = tpu.memref_slice %arg7[%add3A_214] : memref<16384xf32, #tpu.memory_space<hbm>> -> memref<128xf32, #tpu.memory_space<hbm>>
    %dma_start3A_218 = tpu.memref_slice %arg7[%add3A_214] : memref<16384xf32, #tpu.memory_space<hbm>> -> memref<128xf32, #tpu.memory_space<hbm>>
    %dma_start3A_219 = arith.constant 384 : i32
    %dma_start3A_220 = tpu.memref_slice %arg11[%dma_start3A_219] : memref<1024xf32, #tpu.memory_space<vmem>> -> memref<128xf32, #tpu.memory_space<vmem>>
    tpu.enqueue_dma source(%dma_start3A_220 : memref<128xf32, #tpu.memory_space<vmem>>) target(%dma_start3A_218 : memref<128xf32, #tpu.memory_space<hbm>>) target_semaphore(%arg13 : memref<!tpu.dma_semaphore, #tpu.memory_space<semaphore_mem>>)
    %get3A_221 = arith.constant 512 : index
    %get3A_222 = tpu.vector_load %arg10[%get3A_221] {strides = array<i32>} : memref<1024xi32, #tpu.memory_space<vmem>>, vector<16xi32>,
    %gather3A_223 = tpu.vector_load_idx %arg9[%get3A_222] : memref<16384xf32, #tpu.memory_space<vmem>>[vector<16xi32>], vector<16xf32>,
    %swap3A_224 = arith.constant 512 : index
    %swap3A_225 = tpu.vector_load %arg11[%swap3A_224] {strides = array<i32>} : memref<1024xf32, #tpu.memory_space<vmem>>, vector<16xf32>,
    tpu.vector_store %arg11[%swap3A_224], %gather3A_223 {strides = array<i32>} : memref<1024xf32, #tpu.memory_space<vmem>>, vector<16xf32>,
    %get3A_226 = arith.constant 528 : index
    %get3A_227 = tpu.vector_load %arg10[%get3A_226] {strides = array<i32>} : memref<1024xi32, #tpu.memory_space<vmem>>, vector<16xi32>,
    %gather3A_228 = tpu.vector_load_idx %arg9[%get3A_227] : memref<16384xf32, #tpu.memory_space<vmem>>[vector<16xi32>], vector<16xf32>,
    %swap3A_229 = arith.constant 528 : index
    %swap3A_230 = tpu.vector_load %arg11[%swap3A_229] {strides = array<i32>} : memref<1024xf32, #tpu.memory_space<vmem>>, vector<16xf32>,
    tpu.vector_store %arg11[%swap3A_229], %gather3A_228 {strides = array<i32>} : memref<1024xf32, #tpu.memory_space<vmem>>, vector<16xf32>,
    %get3A_231 = arith.constant 544 : index
    %get3A_232 = tpu.vector_load %arg10[%get3A_231] {strides = array<i32>} : memref<1024xi32, #tpu.memory_space<vmem>>, vector<16xi32>,
    %gather3A_233 = tpu.vector_load_idx %arg9[%get3A_232] : memref<16384xf32, #tpu.memory_space<vmem>>[vector<16xi32>], vector<16xf32>,
    %swap3A_234 = arith.constant 544 : index
    %swap3A_235 = tpu.vector_load %arg11[%swap3A_234] {strides = array<i32>} : memref<1024xf32, #tpu.memory_space<vmem>>, vector<16xf32>,
    tpu.vector_store %arg11[%swap3A_234], %gather3A_233 {strides = array<i32>} : memref<1024xf32, #tpu.memory_space<vmem>>, vector<16xf32>,
    %get3A_236 = arith.constant 560 : index
    %get3A_237 = tpu.vector_load %arg10[%get3A_236] {strides = array<i32>} : memref<1024xi32, #tpu.memory_space<vmem>>, vector<16xi32>,
    %gather3A_238 = tpu.vector_load_idx %arg9[%get3A_237] : memref<16384xf32, #tpu.memory_space<vmem>>[vector<16xi32>], vector<16xf32>,
    %swap3A_239 = arith.constant 560 : index
    %swap3A_240 = tpu.vector_load %arg11[%swap3A_239] {strides = array<i32>} : memref<1024xf32, #tpu.memory_space<vmem>>, vector<16xf32>,
    tpu.vector_store %arg11[%swap3A_239], %gather3A_238 {strides = array<i32>} : memref<1024xf32, #tpu.memory_space<vmem>>, vector<16xf32>,
    %get3A_241 = arith.constant 576 : index
    %get3A_242 = tpu.vector_load %arg10[%get3A_241] {strides = array<i32>} : memref<1024xi32, #tpu.memory_space<vmem>>, vector<16xi32>,
    %gather3A_243 = tpu.vector_load_idx %arg9[%get3A_242] : memref<16384xf32, #tpu.memory_space<vmem>>[vector<16xi32>], vector<16xf32>,
    %swap3A_244 = arith.constant 576 : index
    %swap3A_245 = tpu.vector_load %arg11[%swap3A_244] {strides = array<i32>} : memref<1024xf32, #tpu.memory_space<vmem>>, vector<16xf32>,
    tpu.vector_store %arg11[%swap3A_244], %gather3A_243 {strides = array<i32>} : memref<1024xf32, #tpu.memory_space<vmem>>, vector<16xf32>,
    %get3A_246 = arith.constant 592 : index
    %get3A_247 = tpu.vector_load %arg10[%get3A_246] {strides = array<i32>} : memref<1024xi32, #tpu.memory_space<vmem>>, vector<16xi32>,
    %gather3A_248 = tpu.vector_load_idx %arg9[%get3A_247] : memref<16384xf32, #tpu.memory_space<vmem>>[vector<16xi32>], vector<16xf32>,
    %swap3A_249 = arith.constant 592 : index
    %swap3A_250 = tpu.vector_load %arg11[%swap3A_249] {strides = array<i32>} : memref<1024xf32, #tpu.memory_space<vmem>>, vector<16xf32>,
    tpu.vector_store %arg11[%swap3A_249], %gather3A_248 {strides = array<i32>} : memref<1024xf32, #tpu.memory_space<vmem>>, vector<16xf32>,
    %get3A_251 = arith.constant 608 : index
    %get3A_252 = tpu.vector_load %arg10[%get3A_251] {strides = array<i32>} : memref<1024xi32, #tpu.memory_space<vmem>>, vector<16xi32>,
    %gather3A_253 = tpu.vector_load_idx %arg9[%get3A_252] : memref<16384xf32, #tpu.memory_space<vmem>>[vector<16xi32>], vector<16xf32>,
    %swap3A_254 = arith.constant 608 : index
    %swap3A_255 = tpu.vector_load %arg11[%swap3A_254] {strides = array<i32>} : memref<1024xf32, #tpu.memory_space<vmem>>, vector<16xf32>,
    tpu.vector_store %arg11[%swap3A_254], %gather3A_253 {strides = array<i32>} : memref<1024xf32, #tpu.memory_space<vmem>>, vector<16xf32>,
    %get3A_256 = arith.constant 624 : index
    %get3A_257 = tpu.vector_load %arg10[%get3A_256] {strides = array<i32>} : memref<1024xi32, #tpu.memory_space<vmem>>, vector<16xi32>,
    %gather3A_258 = tpu.vector_load_idx %arg9[%get3A_257] : memref<16384xf32, #tpu.memory_space<vmem>>[vector<16xi32>], vector<16xf32>,
    %swap3A_259 = arith.constant 624 : index
    %swap3A_260 = tpu.vector_load %arg11[%swap3A_259] {strides = array<i32>} : memref<1024xf32, #tpu.memory_space<vmem>>, vector<16xf32>,
    tpu.vector_store %arg11[%swap3A_259], %gather3A_258 {strides = array<i32>} : memref<1024xf32, #tpu.memory_space<vmem>>, vector<16xf32>,
    %add3A_261 = arith.constant 512 : i32
    %add3A_262 = arith.addi %mul3A_2, %add3A_261 : i32
    %dma_start3A_263 = arith.constant 512 : i32
    %dma_start3A_264 = tpu.memref_slice %arg11[%dma_start3A_263] : memref<1024xf32, #tpu.memory_space<vmem>> -> memref<128xf32, #tpu.memory_space<vmem>>
    %dma_start3A_265 = tpu.memref_slice %arg7[%add3A_262] : memref<16384xf32, #tpu.memory_space<hbm>> -> memref<128xf32, #tpu.memory_space<hbm>>
    %dma_start3A_266 = tpu.memref_slice %arg7[%add3A_262] : memref<16384xf32, #tpu.memory_space<hbm>> -> memref<128xf32, #tpu.memory_space<hbm>>
    %dma_start3A_267 = arith.constant 512 : i32
    %dma_start3A_268 = tpu.memref_slice %arg11[%dma_start3A_267] : memref<1024xf32, #tpu.memory_space<vmem>> -> memref<128xf32, #tpu.memory_space<vmem>>
    tpu.enqueue_dma source(%dma_start3A_268 : memref<128xf32, #tpu.memory_space<vmem>>) target(%dma_start3A_266 : memref<128xf32, #tpu.memory_space<hbm>>) target_semaphore(%arg13 : memref<!tpu.dma_semaphore, #tpu.memory_space<semaphore_mem>>)
    %get3A_269 = arith.constant 640 : index
    %get3A_270 = tpu.vector_load %arg10[%get3A_269] {strides = array<i32>} : memref<1024xi32, #tpu.memory_space<vmem>>, vector<16xi32>,
    %gather3A_271 = tpu.vector_load_idx %arg9[%get3A_270] : memref<16384xf32, #tpu.memory_space<vmem>>[vector<16xi32>], vector<16xf32>,
    %swap3A_272 = arith.constant 640 : index
    %swap3A_273 = tpu.vector_load %arg11[%swap3A_272] {strides = array<i32>} : memref<1024xf32, #tpu.memory_space<vmem>>, vector<16xf32>,
    tpu.vector_store %arg11[%swap3A_272], %gather3A_271 {strides = array<i32>} : memref<1024xf32, #tpu.memory_space<vmem>>, vector<16xf32>,
    %get3A_274 = arith.constant 656 : index
    %get3A_275 = tpu.vector_load %arg10[%get3A_274] {strides = array<i32>} : memref<1024xi32, #tpu.memory_space<vmem>>, vector<16xi32>,
    %gather3A_276 = tpu.vector_load_idx %arg9[%get3A_275] : memref<16384xf32, #tpu.memory_space<vmem>>[vector<16xi32>], vector<16xf32>,
    %swap3A_277 = arith.constant 656 : index
    %swap3A_278 = tpu.vector_load %arg11[%swap3A_277] {strides = array<i32>} : memref<1024xf32, #tpu.memory_space<vmem>>, vector<16xf32>,
    tpu.vector_store %arg11[%swap3A_277], %gather3A_276 {strides = array<i32>} : memref<1024xf32, #tpu.memory_space<vmem>>, vector<16xf32>,
    %get3A_279 = arith.constant 672 : index
    %get3A_280 = tpu.vector_load %arg10[%get3A_279] {strides = array<i32>} : memref<1024xi32, #tpu.memory_space<vmem>>, vector<16xi32>,
    %gather3A_281 = tpu.vector_load_idx %arg9[%get3A_280] : memref<16384xf32, #tpu.memory_space<vmem>>[vector<16xi32>], vector<16xf32>,
    %swap3A_282 = arith.constant 672 : index
    %swap3A_283 = tpu.vector_load %arg11[%swap3A_282] {strides = array<i32>} : memref<1024xf32, #tpu.memory_space<vmem>>, vector<16xf32>,
    tpu.vector_store %arg11[%swap3A_282], %gather3A_281 {strides = array<i32>} : memref<1024xf32, #tpu.memory_space<vmem>>, vector<16xf32>,
    %get3A_284 = arith.constant 688 : index
    %get3A_285 = tpu.vector_load %arg10[%get3A_284] {strides = array<i32>} : memref<1024xi32, #tpu.memory_space<vmem>>, vector<16xi32>,
    %gather3A_286 = tpu.vector_load_idx %arg9[%get3A_285] : memref<16384xf32, #tpu.memory_space<vmem>>[vector<16xi32>], vector<16xf32>,
    %swap3A_287 = arith.constant 688 : index
    %swap3A_288 = tpu.vector_load %arg11[%swap3A_287] {strides = array<i32>} : memref<1024xf32, #tpu.memory_space<vmem>>, vector<16xf32>,
    tpu.vector_store %arg11[%swap3A_287], %gather3A_286 {strides = array<i32>} : memref<1024xf32, #tpu.memory_space<vmem>>, vector<16xf32>,
    %get3A_289 = arith.constant 704 : index
    %get3A_290 = tpu.vector_load %arg10[%get3A_289] {strides = array<i32>} : memref<1024xi32, #tpu.memory_space<vmem>>, vector<16xi32>,
    %gather3A_291 = tpu.vector_load_idx %arg9[%get3A_290] : memref<16384xf32, #tpu.memory_space<vmem>>[vector<16xi32>], vector<16xf32>,
    %swap3A_292 = arith.constant 704 : index
    %swap3A_293 = tpu.vector_load %arg11[%swap3A_292] {strides = array<i32>} : memref<1024xf32, #tpu.memory_space<vmem>>, vector<16xf32>,
    tpu.vector_store %arg11[%swap3A_292], %gather3A_291 {strides = array<i32>} : memref<1024xf32, #tpu.memory_space<vmem>>, vector<16xf32>,
    %get3A_294 = arith.constant 720 : index
    %get3A_295 = tpu.vector_load %arg10[%get3A_294] {strides = array<i32>} : memref<1024xi32, #tpu.memory_space<vmem>>, vector<16xi32>,
    %gather3A_296 = tpu.vector_load_idx %arg9[%get3A_295] : memref<16384xf32, #tpu.memory_space<vmem>>[vector<16xi32>], vector<16xf32>,
    %swap3A_297 = arith.constant 720 : index
    %swap3A_298 = tpu.vector_load %arg11[%swap3A_297] {strides = array<i32>} : memref<1024xf32, #tpu.memory_space<vmem>>, vector<16xf32>,
    tpu.vector_store %arg11[%swap3A_297], %gather3A_296 {strides = array<i32>} : memref<1024xf32, #tpu.memory_space<vmem>>, vector<16xf32>,
    %get3A_299 = arith.constant 736 : index
    %get3A_300 = tpu.vector_load %arg10[%get3A_299] {strides = array<i32>} : memref<1024xi32, #tpu.memory_space<vmem>>, vector<16xi32>,
    %gather3A_301 = tpu.vector_load_idx %arg9[%get3A_300] : memref<16384xf32, #tpu.memory_space<vmem>>[vector<16xi32>], vector<16xf32>,
    %swap3A_302 = arith.constant 736 : index
    %swap3A_303 = tpu.vector_load %arg11[%swap3A_302] {strides = array<i32>} : memref<1024xf32, #tpu.memory_space<vmem>>, vector<16xf32>,
    tpu.vector_store %arg11[%swap3A_302], %gather3A_301 {strides = array<i32>} : memref<1024xf32, #tpu.memory_space<vmem>>, vector<16xf32>,
    %get3A_304 = arith.constant 752 : index
    %get3A_305 = tpu.vector_load %arg10[%get3A_304] {strides = array<i32>} : memref<1024xi32, #tpu.memory_space<vmem>>, vector<16xi32>,
    %gather3A_306 = tpu.vector_load_idx %arg9[%get3A_305] : memref<16384xf32, #tpu.memory_space<vmem>>[vector<16xi32>], vector<16xf32>,
    %swap3A_307 = arith.constant 752 : index
    %swap3A_308 = tpu.vector_load %arg11[%swap3A_307] {strides = array<i32>} : memref<1024xf32, #tpu.memory_space<vmem>>, vector<16xf32>,
    tpu.vector_store %arg11[%swap3A_307], %gather3A_306 {strides = array<i32>} : memref<1024xf32, #tpu.memory_space<vmem>>, vector<16xf32>,
    %add3A_309 = arith.constant 640 : i32
    %add3A_310 = arith.addi %mul3A_2, %add3A_309 : i32
    %dma_start3A_311 = arith.constant 640 : i32
    %dma_start3A_312 = tpu.memref_slice %arg11[%dma_start3A_311] : memref<1024xf32, #tpu.memory_space<vmem>> -> memref<128xf32, #tpu.memory_space<vmem>>
    %dma_start3A_313 = tpu.memref_slice %arg7[%add3A_310] : memref<16384xf32, #tpu.memory_space<hbm>> -> memref<128xf32, #tpu.memory_space<hbm>>
    %dma_start3A_314 = tpu.memref_slice %arg7[%add3A_310] : memref<16384xf32, #tpu.memory_space<hbm>> -> memref<128xf32, #tpu.memory_space<hbm>>
    %dma_start3A_315 = arith.constant 640 : i32
    %dma_start3A_316 = tpu.memref_slice %arg11[%dma_start3A_315] : memref<1024xf32, #tpu.memory_space<vmem>> -> memref<128xf32, #tpu.memory_space<vmem>>
    tpu.enqueue_dma source(%dma_start3A_316 : memref<128xf32, #tpu.memory_space<vmem>>) target(%dma_start3A_314 : memref<128xf32, #tpu.memory_space<hbm>>) target_semaphore(%arg13 : memref<!tpu.dma_semaphore, #tpu.memory_space<semaphore_mem>>)
    %get3A_317 = arith.constant 768 : index
    %get3A_318 = tpu.vector_load %arg10[%get3A_317] {strides = array<i32>} : memref<1024xi32, #tpu.memory_space<vmem>>, vector<16xi32>,
    %gather3A_319 = tpu.vector_load_idx %arg9[%get3A_318] : memref<16384xf32, #tpu.memory_space<vmem>>[vector<16xi32>], vector<16xf32>,
    %swap3A_320 = arith.constant 768 : index
    %swap3A_321 = tpu.vector_load %arg11[%swap3A_320] {strides = array<i32>} : memref<1024xf32, #tpu.memory_space<vmem>>, vector<16xf32>,
    tpu.vector_store %arg11[%swap3A_320], %gather3A_319 {strides = array<i32>} : memref<1024xf32, #tpu.memory_space<vmem>>, vector<16xf32>,
    %get3A_322 = arith.constant 784 : index
    %get3A_323 = tpu.vector_load %arg10[%get3A_322] {strides = array<i32>} : memref<1024xi32, #tpu.memory_space<vmem>>, vector<16xi32>,
    %gather3A_324 = tpu.vector_load_idx %arg9[%get3A_323] : memref<16384xf32, #tpu.memory_space<vmem>>[vector<16xi32>], vector<16xf32>,
    %swap3A_325 = arith.constant 784 : index
    %swap3A_326 = tpu.vector_load %arg11[%swap3A_325] {strides = array<i32>} : memref<1024xf32, #tpu.memory_space<vmem>>, vector<16xf32>,
    tpu.vector_store %arg11[%swap3A_325], %gather3A_324 {strides = array<i32>} : memref<1024xf32, #tpu.memory_space<vmem>>, vector<16xf32>,
    %get3A_327 = arith.constant 800 : index
    %get3A_328 = tpu.vector_load %arg10[%get3A_327] {strides = array<i32>} : memref<1024xi32, #tpu.memory_space<vmem>>, vector<16xi32>,
    %gather3A_329 = tpu.vector_load_idx %arg9[%get3A_328] : memref<16384xf32, #tpu.memory_space<vmem>>[vector<16xi32>], vector<16xf32>,
    %swap3A_330 = arith.constant 800 : index
    %swap3A_331 = tpu.vector_load %arg11[%swap3A_330] {strides = array<i32>} : memref<1024xf32, #tpu.memory_space<vmem>>, vector<16xf32>,
    tpu.vector_store %arg11[%swap3A_330], %gather3A_329 {strides = array<i32>} : memref<1024xf32, #tpu.memory_space<vmem>>, vector<16xf32>,
    %get3A_332 = arith.constant 816 : index
    %get3A_333 = tpu.vector_load %arg10[%get3A_332] {strides = array<i32>} : memref<1024xi32, #tpu.memory_space<vmem>>, vector<16xi32>,
    %gather3A_334 = tpu.vector_load_idx %arg9[%get3A_333] : memref<16384xf32, #tpu.memory_space<vmem>>[vector<16xi32>], vector<16xf32>,
    %swap3A_335 = arith.constant 816 : index
    %swap3A_336 = tpu.vector_load %arg11[%swap3A_335] {strides = array<i32>} : memref<1024xf32, #tpu.memory_space<vmem>>, vector<16xf32>,
    tpu.vector_store %arg11[%swap3A_335], %gather3A_334 {strides = array<i32>} : memref<1024xf32, #tpu.memory_space<vmem>>, vector<16xf32>,
    %get3A_337 = arith.constant 832 : index
    %get3A_338 = tpu.vector_load %arg10[%get3A_337] {strides = array<i32>} : memref<1024xi32, #tpu.memory_space<vmem>>, vector<16xi32>,
    %gather3A_339 = tpu.vector_load_idx %arg9[%get3A_338] : memref<16384xf32, #tpu.memory_space<vmem>>[vector<16xi32>], vector<16xf32>,
    %swap3A_340 = arith.constant 832 : index
    %swap3A_341 = tpu.vector_load %arg11[%swap3A_340] {strides = array<i32>} : memref<1024xf32, #tpu.memory_space<vmem>>, vector<16xf32>,
    tpu.vector_store %arg11[%swap3A_340], %gather3A_339 {strides = array<i32>} : memref<1024xf32, #tpu.memory_space<vmem>>, vector<16xf32>,
    %get3A_342 = arith.constant 848 : index
    %get3A_343 = tpu.vector_load %arg10[%get3A_342] {strides = array<i32>} : memref<1024xi32, #tpu.memory_space<vmem>>, vector<16xi32>,
    %gather3A_344 = tpu.vector_load_idx %arg9[%get3A_343] : memref<16384xf32, #tpu.memory_space<vmem>>[vector<16xi32>], vector<16xf32>,
    %swap3A_345 = arith.constant 848 : index
    %swap3A_346 = tpu.vector_load %arg11[%swap3A_345] {strides = array<i32>} : memref<1024xf32, #tpu.memory_space<vmem>>, vector<16xf32>,
    tpu.vector_store %arg11[%swap3A_345], %gather3A_344 {strides = array<i32>} : memref<1024xf32, #tpu.memory_space<vmem>>, vector<16xf32>,
    %get3A_347 = arith.constant 864 : index
    %get3A_348 = tpu.vector_load %arg10[%get3A_347] {strides = array<i32>} : memref<1024xi32, #tpu.memory_space<vmem>>, vector<16xi32>,
    %gather3A_349 = tpu.vector_load_idx %arg9[%get3A_348] : memref<16384xf32, #tpu.memory_space<vmem>>[vector<16xi32>], vector<16xf32>,
    %swap3A_350 = arith.constant 864 : index
    %swap3A_351 = tpu.vector_load %arg11[%swap3A_350] {strides = array<i32>} : memref<1024xf32, #tpu.memory_space<vmem>>, vector<16xf32>,
    tpu.vector_store %arg11[%swap3A_350], %gather3A_349 {strides = array<i32>} : memref<1024xf32, #tpu.memory_space<vmem>>, vector<16xf32>,
    %get3A_352 = arith.constant 880 : index
    %get3A_353 = tpu.vector_load %arg10[%get3A_352] {strides = array<i32>} : memref<1024xi32, #tpu.memory_space<vmem>>, vector<16xi32>,
    %gather3A_354 = tpu.vector_load_idx %arg9[%get3A_353] : memref<16384xf32, #tpu.memory_space<vmem>>[vector<16xi32>], vector<16xf32>,
    %swap3A_355 = arith.constant 880 : index
    %swap3A_356 = tpu.vector_load %arg11[%swap3A_355] {strides = array<i32>} : memref<1024xf32, #tpu.memory_space<vmem>>, vector<16xf32>,
    tpu.vector_store %arg11[%swap3A_355], %gather3A_354 {strides = array<i32>} : memref<1024xf32, #tpu.memory_space<vmem>>, vector<16xf32>,
    %add3A_357 = arith.constant 768 : i32
    %add3A_358 = arith.addi %mul3A_2, %add3A_357 : i32
    %dma_start3A_359 = arith.constant 768 : i32
    %dma_start3A_360 = tpu.memref_slice %arg11[%dma_start3A_359] : memref<1024xf32, #tpu.memory_space<vmem>> -> memref<128xf32, #tpu.memory_space<vmem>>
    %dma_start3A_361 = tpu.memref_slice %arg7[%add3A_358] : memref<16384xf32, #tpu.memory_space<hbm>> -> memref<128xf32, #tpu.memory_space<hbm>>
    %dma_start3A_362 = tpu.memref_slice %arg7[%add3A_358] : memref<16384xf32, #tpu.memory_space<hbm>> -> memref<128xf32, #tpu.memory_space<hbm>>
    %dma_start3A_363 = arith.constant 768 : i32
    %dma_start3A_364 = tpu.memref_slice %arg11[%dma_start3A_363] : memref<1024xf32, #tpu.memory_space<vmem>> -> memref<128xf32, #tpu.memory_space<vmem>>
    tpu.enqueue_dma source(%dma_start3A_364 : memref<128xf32, #tpu.memory_space<vmem>>) target(%dma_start3A_362 : memref<128xf32, #tpu.memory_space<hbm>>) target_semaphore(%arg13 : memref<!tpu.dma_semaphore, #tpu.memory_space<semaphore_mem>>)
    %get3A_365 = arith.constant 896 : index
    %get3A_366 = tpu.vector_load %arg10[%get3A_365] {strides = array<i32>} : memref<1024xi32, #tpu.memory_space<vmem>>, vector<16xi32>,
    %gather3A_367 = tpu.vector_load_idx %arg9[%get3A_366] : memref<16384xf32, #tpu.memory_space<vmem>>[vector<16xi32>], vector<16xf32>,
    %swap3A_368 = arith.constant 896 : index
    %swap3A_369 = tpu.vector_load %arg11[%swap3A_368] {strides = array<i32>} : memref<1024xf32, #tpu.memory_space<vmem>>, vector<16xf32>,
    tpu.vector_store %arg11[%swap3A_368], %gather3A_367 {strides = array<i32>} : memref<1024xf32, #tpu.memory_space<vmem>>, vector<16xf32>,
    %get3A_370 = arith.constant 912 : index
    %get3A_371 = tpu.vector_load %arg10[%get3A_370] {strides = array<i32>} : memref<1024xi32, #tpu.memory_space<vmem>>, vector<16xi32>,
    %gather3A_372 = tpu.vector_load_idx %arg9[%get3A_371] : memref<16384xf32, #tpu.memory_space<vmem>>[vector<16xi32>], vector<16xf32>,
    %swap3A_373 = arith.constant 912 : index
    %swap3A_374 = tpu.vector_load %arg11[%swap3A_373] {strides = array<i32>} : memref<1024xf32, #tpu.memory_space<vmem>>, vector<16xf32>,
    tpu.vector_store %arg11[%swap3A_373], %gather3A_372 {strides = array<i32>} : memref<1024xf32, #tpu.memory_space<vmem>>, vector<16xf32>,
    %get3A_375 = arith.constant 928 : index
    %get3A_376 = tpu.vector_load %arg10[%get3A_375] {strides = array<i32>} : memref<1024xi32, #tpu.memory_space<vmem>>, vector<16xi32>,
    %gather3A_377 = tpu.vector_load_idx %arg9[%get3A_376] : memref<16384xf32, #tpu.memory_space<vmem>>[vector<16xi32>], vector<16xf32>,
    %swap3A_378 = arith.constant 928 : index
    %swap3A_379 = tpu.vector_load %arg11[%swap3A_378] {strides = array<i32>} : memref<1024xf32, #tpu.memory_space<vmem>>, vector<16xf32>,
    tpu.vector_store %arg11[%swap3A_378], %gather3A_377 {strides = array<i32>} : memref<1024xf32, #tpu.memory_space<vmem>>, vector<16xf32>,
    %get3A_380 = arith.constant 944 : index
    %get3A_381 = tpu.vector_load %arg10[%get3A_380] {strides = array<i32>} : memref<1024xi32, #tpu.memory_space<vmem>>, vector<16xi32>,
    %gather3A_382 = tpu.vector_load_idx %arg9[%get3A_381] : memref<16384xf32, #tpu.memory_space<vmem>>[vector<16xi32>], vector<16xf32>,
    %swap3A_383 = arith.constant 944 : index
    %swap3A_384 = tpu.vector_load %arg11[%swap3A_383] {strides = array<i32>} : memref<1024xf32, #tpu.memory_space<vmem>>, vector<16xf32>,
    tpu.vector_store %arg11[%swap3A_383], %gather3A_382 {strides = array<i32>} : memref<1024xf32, #tpu.memory_space<vmem>>, vector<16xf32>,
    %get3A_385 = arith.constant 960 : index
    %get3A_386 = tpu.vector_load %arg10[%get3A_385] {strides = array<i32>} : memref<1024xi32, #tpu.memory_space<vmem>>, vector<16xi32>,
    %gather3A_387 = tpu.vector_load_idx %arg9[%get3A_386] : memref<16384xf32, #tpu.memory_space<vmem>>[vector<16xi32>], vector<16xf32>,
    %swap3A_388 = arith.constant 960 : index
    %swap3A_389 = tpu.vector_load %arg11[%swap3A_388] {strides = array<i32>} : memref<1024xf32, #tpu.memory_space<vmem>>, vector<16xf32>,
    tpu.vector_store %arg11[%swap3A_388], %gather3A_387 {strides = array<i32>} : memref<1024xf32, #tpu.memory_space<vmem>>, vector<16xf32>,
    %get3A_390 = arith.constant 976 : index
    %get3A_391 = tpu.vector_load %arg10[%get3A_390] {strides = array<i32>} : memref<1024xi32, #tpu.memory_space<vmem>>, vector<16xi32>,
    %gather3A_392 = tpu.vector_load_idx %arg9[%get3A_391] : memref<16384xf32, #tpu.memory_space<vmem>>[vector<16xi32>], vector<16xf32>,
    %swap3A_393 = arith.constant 976 : index
    %swap3A_394 = tpu.vector_load %arg11[%swap3A_393] {strides = array<i32>} : memref<1024xf32, #tpu.memory_space<vmem>>, vector<16xf32>,
    tpu.vector_store %arg11[%swap3A_393], %gather3A_392 {strides = array<i32>} : memref<1024xf32, #tpu.memory_space<vmem>>, vector<16xf32>,
    %get3A_395 = arith.constant 992 : index
    %get3A_396 = tpu.vector_load %arg10[%get3A_395] {strides = array<i32>} : memref<1024xi32, #tpu.memory_space<vmem>>, vector<16xi32>,
    %gather3A_397 = tpu.vector_load_idx %arg9[%get3A_396] : memref<16384xf32, #tpu.memory_space<vmem>>[vector<16xi32>], vector<16xf32>,
    %swap3A_398 = arith.constant 992 : index
    %swap3A_399 = tpu.vector_load %arg11[%swap3A_398] {strides = array<i32>} : memref<1024xf32, #tpu.memory_space<vmem>>, vector<16xf32>,
    tpu.vector_store %arg11[%swap3A_398], %gather3A_397 {strides = array<i32>} : memref<1024xf32, #tpu.memory_space<vmem>>, vector<16xf32>,
    %get3A_400 = arith.constant 1008 : index
    %get3A_401 = tpu.vector_load %arg10[%get3A_400] {strides = array<i32>} : memref<1024xi32, #tpu.memory_space<vmem>>, vector<16xi32>,
    %gather3A_402 = tpu.vector_load_idx %arg9[%get3A_401] : memref<16384xf32, #tpu.memory_space<vmem>>[vector<16xi32>], vector<16xf32>,
    %swap3A_403 = arith.constant 1008 : index
    %swap3A_404 = tpu.vector_load %arg11[%swap3A_403] {strides = array<i32>} : memref<1024xf32, #tpu.memory_space<vmem>>, vector<16xf32>,
    tpu.vector_store %arg11[%swap3A_403], %gather3A_402 {strides = array<i32>} : memref<1024xf32, #tpu.memory_space<vmem>>, vector<16xf32>,
    %add3A_405 = arith.constant 896 : i32
    %add3A_406 = arith.addi %mul3A_2, %add3A_405 : i32
    %dma_start3A_407 = arith.constant 896 : i32
    %dma_start3A_408 = tpu.memref_slice %arg11[%dma_start3A_407] : memref<1024xf32, #tpu.memory_space<vmem>> -> memref<128xf32, #tpu.memory_space<vmem>>
    %dma_start3A_409 = tpu.memref_slice %arg7[%add3A_406] : memref<16384xf32, #tpu.memory_space<hbm>> -> memref<128xf32, #tpu.memory_space<hbm>>
    %dma_start3A_410 = tpu.memref_slice %arg7[%add3A_406] : memref<16384xf32, #tpu.memory_space<hbm>> -> memref<128xf32, #tpu.memory_space<hbm>>
    %dma_start3A_411 = arith.constant 896 : i32
    %dma_start3A_412 = tpu.memref_slice %arg11[%dma_start3A_411] : memref<1024xf32, #tpu.memory_space<vmem>> -> memref<128xf32, #tpu.memory_space<vmem>>
    tpu.enqueue_dma source(%dma_start3A_412 : memref<128xf32, #tpu.memory_space<vmem>>) target(%dma_start3A_410 : memref<128xf32, #tpu.memory_space<hbm>>) target_semaphore(%arg13 : memref<!tpu.dma_semaphore, #tpu.memory_space<semaphore_mem>>)
    %dma_wait3A = arith.constant 0 : i32
    %dma_wait3A_413 = tpu.memref_slice %arg11[%dma_wait3A] : memref<1024xf32, #tpu.memory_space<vmem>> -> memref<128xf32, #tpu.memory_space<vmem>>
    %dma_wait3A_414 = tpu.memref_slice %arg7[%add3A_70] : memref<16384xf32, #tpu.memory_space<hbm>> -> memref<128xf32, #tpu.memory_space<hbm>>
    %dma_wait3A_415 = tpu.memref_slice %arg7[%add3A_70] : memref<16384xf32, #tpu.memory_space<hbm>> -> memref<128xf32, #tpu.memory_space<hbm>>
    %dma_wait3A_416 = arith.constant 0 : i32
    %dma_wait3A_417 = tpu.memref_slice %arg11[%dma_wait3A_416] : memref<1024xf32, #tpu.memory_space<vmem>> -> memref<128xf32, #tpu.memory_space<vmem>>
    tpu.wait_dma2 semaphore(%arg13 : memref<!tpu.dma_semaphore, #tpu.memory_space<semaphore_mem>>) src(%dma_wait3A_417 : memref<128xf32, #tpu.memory_space<vmem>>) dst(%dma_wait3A_415 : memref<128xf32, #tpu.memory_space<hbm>>)
    %dma_wait3A_418 = arith.constant 128 : i32
    %dma_wait3A_419 = tpu.memref_slice %arg11[%dma_wait3A_418] : memref<1024xf32, #tpu.memory_space<vmem>> -> memref<128xf32, #tpu.memory_space<vmem>>
    %dma_wait3A_420 = tpu.memref_slice %arg7[%add3A_118] : memref<16384xf32, #tpu.memory_space<hbm>> -> memref<128xf32, #tpu.memory_space<hbm>>
    %dma_wait3A_421 = tpu.memref_slice %arg7[%add3A_118] : memref<16384xf32, #tpu.memory_space<hbm>> -> memref<128xf32, #tpu.memory_space<hbm>>
    %dma_wait3A_422 = arith.constant 128 : i32
    %dma_wait3A_423 = tpu.memref_slice %arg11[%dma_wait3A_422] : memref<1024xf32, #tpu.memory_space<vmem>> -> memref<128xf32, #tpu.memory_space<vmem>>
    tpu.wait_dma2 semaphore(%arg13 : memref<!tpu.dma_semaphore, #tpu.memory_space<semaphore_mem>>) src(%dma_wait3A_423 : memref<128xf32, #tpu.memory_space<vmem>>) dst(%dma_wait3A_421 : memref<128xf32, #tpu.memory_space<hbm>>)
    %dma_wait3A_424 = arith.constant 256 : i32
    %dma_wait3A_425 = tpu.memref_slice %arg11[%dma_wait3A_424] : memref<1024xf32, #tpu.memory_space<vmem>> -> memref<128xf32, #tpu.memory_space<vmem>>
    %dma_wait3A_426 = tpu.memref_slice %arg7[%add3A_166] : memref<16384xf32, #tpu.memory_space<hbm>> -> memref<128xf32, #tpu.memory_space<hbm>>
    %dma_wait3A_427 = tpu.memref_slice %arg7[%add3A_166] : memref<16384xf32, #tpu.memory_space<hbm>> -> memref<128xf32, #tpu.memory_space<hbm>>
    %dma_wait3A_428 = arith.constant 256 : i32
    %dma_wait3A_429 = tpu.memref_slice %arg11[%dma_wait3A_428] : memref<1024xf32, #tpu.memory_space<vmem>> -> memref<128xf32, #tpu.memory_space<vmem>>
    tpu.wait_dma2 semaphore(%arg13 : memref<!tpu.dma_semaphore, #tpu.memory_space<semaphore_mem>>) src(%dma_wait3A_429 : memref<128xf32, #tpu.memory_space<vmem>>) dst(%dma_wait3A_427 : memref<128xf32, #tpu.memory_space<hbm>>)
    %dma_wait3A_430 = arith.constant 384 : i32
    %dma_wait3A_431 = tpu.memref_slice %arg11[%dma_wait3A_430] : memref<1024xf32, #tpu.memory_space<vmem>> -> memref<128xf32, #tpu.memory_space<vmem>>
    %dma_wait3A_432 = tpu.memref_slice %arg7[%add3A_214] : memref<16384xf32, #tpu.memory_space<hbm>> -> memref<128xf32, #tpu.memory_space<hbm>>
    %dma_wait3A_433 = tpu.memref_slice %arg7[%add3A_214] : memref<16384xf32, #tpu.memory_space<hbm>> -> memref<128xf32, #tpu.memory_space<hbm>>
    %dma_wait3A_434 = arith.constant 384 : i32
    %dma_wait3A_435 = tpu.memref_slice %arg11[%dma_wait3A_434] : memref<1024xf32, #tpu.memory_space<vmem>> -> memref<128xf32, #tpu.memory_space<vmem>>
    tpu.wait_dma2 semaphore(%arg13 : memref<!tpu.dma_semaphore, #tpu.memory_space<semaphore_mem>>) src(%dma_wait3A_435 : memref<128xf32, #tpu.memory_space<vmem>>) dst(%dma_wait3A_433 : memref<128xf32, #tpu.memory_space<hbm>>)
    %dma_wait3A_436 = arith.constant 512 : i32
    %dma_wait3A_437 = tpu.memref_slice %arg11[%dma_wait3A_436] : memref<1024xf32, #tpu.memory_space<vmem>> -> memref<128xf32, #tpu.memory_space<vmem>>
    %dma_wait3A_438 = tpu.memref_slice %arg7[%add3A_262] : memref<16384xf32, #tpu.memory_space<hbm>> -> memref<128xf32, #tpu.memory_space<hbm>>
    %dma_wait3A_439 = tpu.memref_slice %arg7[%add3A_262] : memref<16384xf32, #tpu.memory_space<hbm>> -> memref<128xf32, #tpu.memory_space<hbm>>
    %dma_wait3A_440 = arith.constant 512 : i32
    %dma_wait3A_441 = tpu.memref_slice %arg11[%dma_wait3A_440] : memref<1024xf32, #tpu.memory_space<vmem>> -> memref<128xf32, #tpu.memory_space<vmem>>
    tpu.wait_dma2 semaphore(%arg13 : memref<!tpu.dma_semaphore, #tpu.memory_space<semaphore_mem>>) src(%dma_wait3A_441 : memref<128xf32, #tpu.memory_space<vmem>>) dst(%dma_wait3A_439 : memref<128xf32, #tpu.memory_space<hbm>>)
    %dma_wait3A_442 = arith.constant 640 : i32
    %dma_wait3A_443 = tpu.memref_slice %arg11[%dma_wait3A_442] : memref<1024xf32, #tpu.memory_space<vmem>> -> memref<128xf32, #tpu.memory_space<vmem>>
    %dma_wait3A_444 = tpu.memref_slice %arg7[%add3A_310] : memref<16384xf32, #tpu.memory_space<hbm>> -> memref<128xf32, #tpu.memory_space<hbm>>
    %dma_wait3A_445 = tpu.memref_slice %arg7[%add3A_310] : memref<16384xf32, #tpu.memory_space<hbm>> -> memref<128xf32, #tpu.memory_space<hbm>>
    %dma_wait3A_446 = arith.constant 640 : i32
    %dma_wait3A_447 = tpu.memref_slice %arg11[%dma_wait3A_446] : memref<1024xf32, #tpu.memory_space<vmem>> -> memref<128xf32, #tpu.memory_space<vmem>>
    tpu.wait_dma2 semaphore(%arg13 : memref<!tpu.dma_semaphore, #tpu.memory_space<semaphore_mem>>) src(%dma_wait3A_447 : memref<128xf32, #tpu.memory_space<vmem>>) dst(%dma_wait3A_445 : memref<128xf32, #tpu.memory_space<hbm>>)
    %dma_wait3A_448 = arith.constant 768 : i32
    %dma_wait3A_449 = tpu.memref_slice %arg11[%dma_wait3A_448] : memref<1024xf32, #tpu.memory_space<vmem>> -> memref<128xf32, #tpu.memory_space<vmem>>
    %dma_wait3A_450 = tpu.memref_slice %arg7[%add3A_358] : memref<16384xf32, #tpu.memory_space<hbm>> -> memref<128xf32, #tpu.memory_space<hbm>>
    %dma_wait3A_451 = tpu.memref_slice %arg7[%add3A_358] : memref<16384xf32, #tpu.memory_space<hbm>> -> memref<128xf32, #tpu.memory_space<hbm>>
    %dma_wait3A_452 = arith.constant 768 : i32
    %dma_wait3A_453 = tpu.memref_slice %arg11[%dma_wait3A_452] : memref<1024xf32, #tpu.memory_space<vmem>> -> memref<128xf32, #tpu.memory_space<vmem>>
    tpu.wait_dma2 semaphore(%arg13 : memref<!tpu.dma_semaphore, #tpu.memory_space<semaphore_mem>>) src(%dma_wait3A_453 : memref<128xf32, #tpu.memory_space<vmem>>) dst(%dma_wait3A_451 : memref<128xf32, #tpu.memory_space<hbm>>)
    %dma_wait3A_454 = arith.constant 896 : i32
    %dma_wait3A_455 = tpu.memref_slice %arg11[%dma_wait3A_454] : memref<1024xf32, #tpu.memory_space<vmem>> -> memref<128xf32, #tpu.memory_space<vmem>>
    %dma_wait3A_456 = tpu.memref_slice %arg7[%add3A_406] : memref<16384xf32, #tpu.memory_space<hbm>> -> memref<128xf32, #tpu.memory_space<hbm>>
    %dma_wait3A_457 = tpu.memref_slice %arg7[%add3A_406] : memref<16384xf32, #tpu.memory_space<hbm>> -> memref<128xf32, #tpu.memory_space<hbm>>
    %dma_wait3A_458 = arith.constant 896 : i32
    %dma_wait3A_459 = tpu.memref_slice %arg11[%dma_wait3A_458] : memref<1024xf32, #tpu.memory_space<vmem>> -> memref<128xf32, #tpu.memory_space<vmem>>
    tpu.wait_dma2 semaphore(%arg13 : memref<!tpu.dma_semaphore, #tpu.memory_space<semaphore_mem>>) src(%dma_wait3A_459 : memref<128xf32, #tpu.memory_space<vmem>>) dst(%dma_wait3A_457 : memref<128xf32, #tpu.memory_space<hbm>>)
    %dma_wait3A_460 = tpu.memref_slice %arg5[%mul3A_2] : memref<16384xi32, #tpu.memory_space<hbm>> -> memref<1024xi32, #tpu.memory_space<hbm>>
    %dma_wait3A_461 = tpu.memref_slice %arg2[%mul3A_2] : memref<16384xi32, #tpu.memory_space<hbm>> -> memref<1024xi32, #tpu.memory_space<hbm>>
    tpu.wait_dma2 semaphore(%arg14 : memref<!tpu.dma_semaphore, #tpu.memory_space<semaphore_mem>>) src(%dma_wait3A_461 : memref<1024xi32, #tpu.memory_space<hbm>>) dst(%dma_wait3A_460 : memref<1024xi32, #tpu.memory_space<hbm>>)
    tpu.wait_dma2 semaphore(%arg14 : memref<!tpu.dma_semaphore, #tpu.memory_space<semaphore_mem>>) src(%arg3 : memref<17xi32, #tpu.memory_space<hbm>>) dst(%arg6 : memref<17xi32, #tpu.memory_space<hbm>>)
    return
  }
}

</mosaic_0001>

<sc_bundles>
// kernel: _position_weights.3.cloned.1.call-start
scs
__scs_entry_jumppad:
0x0: {  	(pc) =	sbr.rel $0x88, $3  }
0x1: {  	(tag) =	ssettag $0x0;
	lr =	simm.s32 $0x1  }
0x2: {  	[smem:$0x3F9E] =	sst lr;
	_ =	strace $0xD0000000  }
0x3: {  	_ = 	snop  }
0x4: {  	_ = 	snop  }
0x5: {  	_ = 	snop  }
0x6: {  	_ = 	snop  }
0x7: {  	_ = 	snop  }
__scs_overlays_trampoline_lowered:
0x8: {  	[smem:$0x3FAD] =	sst s0  }
0x9: {  	[smem:$0x3FAE] =	sst s1  }
0xa: {  	[smem:$0x3FAF] =	sst s2  }
0xb: {  	[smem:$0x3FB0] =	sst s3  }
0xc: {  	[smem:$0x3FB1] =	sst s4  }
0xd: {  	[smem:$0x3FB2] =	sst s5  }
0xe: {  	[smem:$0x3FB3] =	sst s6  }
0xf: {  	[smem:$0x3FB4] =	sst s7  }
0x10: {  	[smem:$0x3FB5] =	sst s8  }
0x11: {  	[smem:$0x3FB6] =	sst s9;
	s0 =	simm.s32 @!p0 $0x0  }
0x12: {  	s1 =	sld [smem:$0x3F9C];
	s0 =	simm.s32 @p0 $0x1  }
0x13: {  	[smem:$0x3FB7] =	sst s0;
	s0 =	simm.s32 @!p1 $0x0  }
0x14: {  	s2 =	sld [smem:$0x3F9B];
	s0 =	simm.s32 @p1 $0x1  }
0x15: {  	[smem:$0x3FB8] =	sst s0;
	s0 =	simm.s32 @!p2 $0x0  }
0x16: {  	s3 =	sld [smem:$0x3FDB];
	s0 =	simm.s32 @p2 $0x1  }
0x17: {  	s4 =	simm.s32 $0x1BF5;
	[smem:$0x3FBA] =	sst s0  }
0x18: {  	s0 =	sld [smem:$0x3F9D];
	_ =	swait.ge [sflag:s4], $0x0  }
0x19: {  	s7 =	sld [smem:$0x3F9E]  }
0x1a: {  	s8 =	sadd.s32 $0xFFFFE003, lr  }
0x1b: {  	s9 =	sadd.s32 $0xFFFFFEF7, lr;
	s5 =	simm.s32 $0xFFFFFFFF;
	p2 =	slt.u32 s8, $0xFFFFF086  }
0x1c: {  	p1 =	slt.u32 s9, $0xF7A;
	s5 =	simm.s32 @!p2 $0x0  }
0x1d: {  	s5 =	simm.s32 @p1 $0x1;
	p0 =	seq.s32 s7, s2  }
0x1e: {  	s7 =	smul.u32 @!p0 $0xF7A, s2;
	p2 =	seq.s32 @!p0 s5, $0x0  }
0x1f: {  	s9 =	smul.u32 $0xF7A, s1;
	s8 =	simm.s32 @!p0 $0x1BF5;
	p2 =	por !p2, p0  }
0x20: {  	[sflag:s8] =	ssyncset.s32 @!p0 $0xFFFFF086;
	s6 =	sadd.s32 @!p0 s3, s7;
	s7 =	simm.s32 @!p0 $0x108  }
0x21: {  	s3 =	sadd.s32 s3, s9;
	s6 =	sadd.s32 @!p0 $0x88, s6;
	s7 =	simm.s32 @p2 $0x1082  }
0x22: {  	[simem:s7], [sflag:s8] =	dma.local @!p0 [hbm:s6], $0xF7A  }
0x23: {  	s9 =	sor.u32 $0xD0000000, s2;
	s6 =	simm.s32 $0x108;
	_ =	swait.ge @!p0 [sflag:s8], $0x0  }
0x24: {  	s3 =	sadd.s32 $0x88, s3;
	s6 =	simm.s32 @!p1 $0x1082;
	[sflag:s4] =	ssyncset.s32 $0xFFFFF086  }
0x25: {  	[simem:s6], [sflag:s4] =	dma.local [hbm:s3], $0xF7A  }
0x26: {  	[smem:$0x3F9E] =	sst s1;
	(tag) =	ssettag s2;
	_ =	strace s9  }
0x27: {  	s1 =	sld [smem:$0x3FAE]  }
0x28: {  	s2 =	sld [smem:$0x3FAF]  }
0x29: {  	s4 =	sld [smem:$0x3FB1]  }
0x2a: {  	p0 =	seq.s32 s5, $0x0;
	s5 =	sld [smem:$0x3FB2]  }
0x2b: {  	s6 =	sld [smem:$0x3FB3]  }
0x2c: {  	s7 =	sld [smem:$0x3FB4]  }
0x2d: {  	s3 =	simm.s32 $0x108;
	s8 =	sld [smem:$0x3FB5]  }
0x2e: {  	s3 =	simm.s32 @!p0 $0x1082;
	s9 =	sld [smem:$0x3FB6]  }
0x2f: {  	lr =	sadd.s32 s0, s3;
	s0 =	sld [smem:$0x3FAD]  }
0x30: {  	s3 =	sld [smem:$0x3FB0]  }
0x31: {  	[smem:$0x3FB9] =	sst s10  }
0x32: {  	s10 =	sld [smem:$0x3FB7];
	_ =	sdelay $0x3  }
0x33: {  	p0 =	seq.s32 s10, $0x1;
	s10 =	sld [smem:$0x3FB9];
	_ =	sdelay $0x3  }
0x34: {  	[smem:$0x3FB9] =	sst s10  }
0x35: {  	s10 =	sld [smem:$0x3FB8];
	_ =	sdelay $0x3  }
0x36: {  	p1 =	seq.s32 s10, $0x1;
	s10 =	sld [smem:$0x3FB9];
	_ =	sdelay $0x3  }
0x37: {  	[smem:$0x3FB9] =	sst s10  }
0x38: {  	s10 =	sld [smem:$0x3FBA]  }
0x39: {  	_ = 	snop;
	(pc) =	sbr.ind lr, $3  }
0x3a: {  	_ = 	snop  }
0x3b: {  	_ = 	snop  }
0x3c: {  	p2 =	seq.s32 s10, $0x1;
	s10 =	sld [smem:$0x3FB9]  }
0x3d: {  	_ =	shalt  }
0x3e: {  	_ =	shalt  }
0x3f: {  	_ =	shalt  }
0x40: {  	_ =	shalt  }
0x41: {  	_ =	shalt  }
0x42: {  	_ =	shalt  }
0x43: {  	_ =	shalt  }
0x44: {  	_ =	shalt  }
0x45: {  	_ =	shalt  }
0x46: {  	_ =	shalt  }
0x47: {  	_ =	shalt  }
0x48: {  	_ =	shalt  }
0x49: {  	_ =	shalt  }
0x4a: {  	_ =	shalt  }
0x4b: {  	_ =	shalt  }
0x4c: {  	_ =	shalt  }
0x4d: {  	_ =	shalt  }
0x4e: {  	_ =	shalt  }
0x4f: {  	_ =	shalt  }
0x50: {  	_ =	shalt  }
0x51: {  	_ =	shalt  }
0x52: {  	_ =	shalt  }
0x53: {  	_ =	shalt  }
0x54: {  	_ =	shalt  }
0x55: {  	_ =	shalt  }
0x56: {  	_ =	shalt  }
0x57: {  	_ =	shalt  }
0x58: {  	_ =	shalt  }
0x59: {  	_ =	shalt  }
0x5a: {  	_ =	shalt  }
0x5b: {  	_ =	shalt  }
0x5c: {  	_ =	shalt  }
0x5d: {  	_ =	shalt  }
0x5e: {  	_ =	shalt  }
0x5f: {  	_ =	shalt  }
0x60: {  	_ =	shalt  }
0x61: {  	_ =	shalt  }
0x62: {  	_ =	shalt  }
0x63: {  	_ =	shalt  }
0x64: {  	_ =	shalt  }
0x65: {  	_ =	shalt  }
0x66: {  	_ =	shalt  }
0x67: {  	_ =	shalt  }
0x68: {  	_ =	shalt  }
0x69: {  	_ =	shalt  }
0x6a: {  	_ =	shalt  }
0x6b: {  	_ =	shalt  }
0x6c: {  	_ =	shalt  }
0x6d: {  	_ =	shalt  }
0x6e: {  	_ =	shalt  }
0x6f: {  	_ =	shalt  }
0x70: {  	_ =	shalt  }
0x71: {  	_ =	shalt  }
0x72: {  	_ =	shalt  }
0x73: {  	_ =	shalt  }
0x74: {  	_ =	shalt  }
0x75: {  	_ =	shalt  }
0x76: {  	_ =	shalt  }
0x77: {  	_ =	shalt  }
0x78: {  	_ =	shalt  }
0x79: {  	_ =	shalt  }
0x7a: {  	_ =	shalt  }
0x7b: {  	_ =	shalt  }
0x7c: {  	_ =	shalt  }
0x7d: {  	_ =	shalt  }
0x7e: {  	_ =	shalt  }
0x7f: {  	_ =	shalt  }
0x80: {  	_ =	shalt  }
0x81: {  	_ =	shalt  }
0x82: {  	_ =	shalt  }
0x83: {  	_ =	shalt  }
0x84: {  	_ =	shalt  }
0x85: {  	_ =	shalt  }
0x86: {  	_ =	shalt  }
0x87: {  	_ =	shalt  }
.Lfunc_end0:
.L_simem_size_0:
called_computation_lowered:
.L_overlay_start_0:
0x88: {  	s0 =	sld [smem:$0x3FD9]  }
0x89: {  	s1 =	sld [smem:$0x3FFE];
	_ =	sdelay $0x3  }
0x8a: {  	s0 =	sadd.s32 s1, s0  }
0x8b: {  	[smem:$0x3FC5] =	sst s0  }
0x8c: {  	_ = 	snop  }
0x8d: {  	s0 =	sld [smem:$0x3FD0]  }
0x8e: {  	s14 =	sld [smem:$0x3FC9]  }
0x8f: {  	s2 =	sld [smem:$0x3FC8]  }
0x90: {  	s4 =	simm.s32 $0xA;
	s5 =	simm.s32 $0x10;
	s3 =	sld [smem:$0x3FC7]  }
0x91: {  	[smem:s5], [sflag:s4] =	dma.local [hbm:s0], $0x1  }
0x92: {  	_ =	swait.eq [sflag:s4], $0x1  }
0x93: {  	s15 =	sld [smem:$0x10];
	[sflag:s4] =	ssyncset.done $0x0  }
0x94: {  	s16 =	sld [smem:$0x11];
	[sflag:s4] =	ssyncadd.s32 $0xFFFFFFFF  }
0x95: {  	s17 =	sld [smem:$0x12];
	(tm) =	ssettm $0x1  }
0x96: {  	s6 =	sld [smem:$0x3FFB];
	_ =	sdelay $0x3  }
0x97: {  	_ =	strace s6  }
0x98: {  	s6 =	sld [smem:$0x3FFC];
	_ =	sdelay $0x3  }
0x99: {  	_ =	strace s6  }
0x9a: {  	s6 =	sld [smem:$0x3FFD];
	_ =	sdelay $0x3  }
0x9b: {  	_ =	strace s6  }
0x9c: {  	_ =	strace $0x8FFFFFFF  }
0x9d: {  	s18 =	sld [smem:$0x3FDB];
	_ =	sdelay $0x1  }
0x9e: {  	s7 =	simm.s32 $_scs_section_size  }
0x9f: {  	s8 =	simm.s32 $_size__tile_overlayer_lowered;
	s9 =	simm.s32 $_tile_overlayer_lowered  }
0xa0: {  	s21 =	simm.s32 $0x1BFF;
	s20 =	sshll.u32 s9, $0x1;
	s6 =	sadd.s32 s7, s18  }
0xa1: {  	s10 =	simm.s32 $0x0;
	s19 =	sshll.u32 s8, $0x1;
	s8 =	sadd.s32 s20, s6  }
0xa2: {  	[timem:s10], [sflag:s21] =	dma.local [hbm:s8], s19  }
0xa3: {  	_ =	swait.ge [sflag:s21], s19  }
0xa4: {  	s7 =	ssub.s32 $0x0, s19;
	[sflag:s21] =	ssyncset.done $0x0  }
0xa5: {  	[sflag:s21] =	ssyncadd.s32 s7;
	_ =	sdelay $0x1  }
0xa6: {  	s22 =	simm.s32 $0x1B8B  }
0xa7: {  	_ =	swait.ge [sflag:s22], $0x1  }
0xa8: {  	[sflag:s22] =	ssyncset.done $0x0  }
0xa9: {  	s23 =	simm.s32 $0x1B8E;
	[sflag:s22] =	ssyncadd.s32 $0xFFFFFFFF  }
0xaa: {  	s24 =	simm.s32 $execute0_lowered;
	[smem:$0x3FD2] =	sst s23  }
0xab: {  	s7 =	sshll.u32 s24, $0x1;
	_ =	strace $0x80000046;
	[dreg:$0x1] =	wrdreg $0xFFFFFFFF  }
0xac: {  	s25 =	simm.s32 $_size_execute0_lowered;
	s6 =	sadd.s32 s6, s7;
	[dreg:$0x0] =	wrdreg $0x0  }
0xad: {  	s7 =	sshll.u32 s25, $0x1;
	[dreg:$0x2] =	wrdreg s6  }
0xae: {  	[dreg:$0x3] =	wrdreg s7  }
0xaf: {  	[dreg:$0x4] =	wrdreg $0xC0  }
0xb0: {  	_ =	task [dreg:s10], $0x5FFFF  }
0xb1: {  	[dreg:$0x1] =	wrdreg $0xFFFFFFFF  }
0xb2: {  	[dreg:$0x0] =	wrdreg $0x60  }
0xb3: {  	[dreg:$0x2] =	wrdreg s14  }
0xb4: {  	[dreg:$0x3] =	wrdreg s2  }
0xb5: {  	[dreg:$0x4] =	wrdreg s3  }
0xb6: {  	[dreg:$0x5] =	wrdreg s15  }
0xb7: {  	[dreg:$0x6] =	wrdreg s16  }
0xb8: {  	[dreg:$0x7] =	wrdreg s17  }
0xb9: {  	[dreg:$0x8] =	wrdreg $0x9  }
0xba: {  	_ =	task.clear_ibuf [dreg:s10], $0x9FFFF;
	_ =	strace $0x90000046  }
0xbb: {  	s26 =	simm.s32 $0x9;
	_ =	strace $0x80000048  }
0xbc: {  	_ =	swait.ge [sflag:s26], $0x1  }
0xbd: {  	[sflag:s26] =	ssyncadd.s32 $0xFFFFFFFF  }
0xbe: {  	_ =	strace $0x90000048  }
0xbf: {  	_ =	sfence  }
0xc0: {  	s28 =	sld [smem:$0x0];
	_ =	sdelay $0x1  }
0xc1: {  	s29 =	srdreg.scid  }
0xc2: {  	s30 =	sshll.u32 s29, $0xD;
	s31 =	sshrl.u32 s29, $0x2  }
0xc3: {  	s1 =	sand.u32 $0x1, s29;
	s2 =	sand.u32 $0x4000, s30;
	s0 =	sadd.s32 s31, s28  }
0xc4: {  	s1 =	sor.u32 s2, s1;
	s0 =	sshll.u32 s0, $0x11  }
0xc5: {  	s0 =	sor.u32 s0, s1  }
0xc6: {  	s0 =	sadd.s32 $0x8F2B, s0  }
0xc7: {  	[sflag:s0] =	ssyncadd.remote.s32 $0x1  }
0xc8: {  	_ =	sfence.sel $0xFFFF  }
0xc9: {  	[dreg:$0x0] =	wrdreg $0xFFFFFFFF;
	(pc) =	sbr.abs _section_cstart, $3  }
0xca: {  	[dreg:$0x1] =	wrdreg $0xFFFFFFFF  }
0xcb: {  	_ =	task.clear_ibuf [dreg:s10], $0x2FFFF;
	_ =	strace $0x9FFFFFFF  }
0xcc: {  	(tm) =	ssettm $0x7FFFFFFF  }
0xcd: {  	_ =	shalt  }
tec
execute0_lowered:
.L_overlay_start_1:
0x0: {  	(tag) =	ssettag $0x1  }
0x1: {  	s2 =	rddreg [dreg:$0x0]  }
0x2: {  	s5 =	rddreg [dreg:$0x1]  }
0x3: {  	s6 =	rddreg [dreg:$0x2]  }
0x4: {  	s7 =	rddreg [dreg:$0x3]  }
0x5: {  	s8 =	rddreg [dreg:$0x4]  }
0x6: {  	s3 =	rddreg [dreg:$0x5]  }
0x7: {  	s0 =	rddreg [dreg:$0x6];
	s9 =	simm.s32 $0x0;
	s1 =	stileid.u32  }
0x8: {  	s11 =	simm.s32 $0x80;
	s31 =	simm.s32 $0x4;
	[smem:$0x7FF] =	sst s9  }
0x9: {  	s4 =	sshll.u32 s1, $0x7;
	s10 =	sshll.u32 s1, $0x6;
	_ =	strace $0x80000047  }
0xa: {  	s7 =	sadd.s32 s7, s4;
	s2 =	sadd.s32 s2, s4;
	s10 =	sor.u32 $0x1C03, s10  }
0xb: {  	[tilespmem:s11], [sflag:$0x1] =	stream.linear.gather [hbm4b:s6+s9], $0x4000, $0x38;
	[tilespmem:$0x4880] =	vst v63  }
0xc: {  	[hbm:s7], [sflag:s10] =	dma.local [hbm:s2], $0x80  }
0xd: {  	[hbm:s8], [sflag:s10] =	dma.local [hbm:s5], $0x10  }
0xe: {  	[tilespmem:s9], [sflag:$0x4] =	stream.linear.gather [hbm4b:s5+s9], $0x10, $0x38;
	[tilespmem:$0x4880] =	vst v63  }
0xf: {  	_ =	swait.ge [sflag:s31], $0x10  }
0x10: {  	[sflag:s31] =	ssyncset.done $0x0  }
0x11: {  	[sflag:s31] =	ssyncadd.s32 $0xFFFFFFF0  }
0x12: {  	v1 =	vimm.s32 $0x0;
	s2 =	simm.s32 $0x40;
	s5 =	simm.s32 $0x0;
	v0 =	vld [tilespmem:$0x0]  }
.LBB2_1:
0x13: {  	p0 =	sne.s32 s2, $0xFC0;
	[tilespmem:s5+$0x4080] =	vst v1;
	s5 =	smov.u32 s2;
	s2 =	sadd.s32 $0x40, s2  }
.Ltmp0:
0x14: {  	(pc) =	sbr.rel @p0 .LBB2_1-.Ltmp0, $2  }
0x15: {  	_ =	sdelay $0x2  }
0x16: {  	s5 =	sshra.s32 s5, $0x2  }
0x17: {  	s2 =	sshll.u32 s1, $0xA  }
0x18: {  	v2 =	vxor.u32 $0x80000000, v0;
	vm0 =	vgt.s32 v0, s2  }
0x19: {  	v2 =	vsel vm0, $0x80000000, v2  }
0x1a: {  	(xrf0) =	vmax.scan.msk.u32 $0xffff, v2  }
0x1b: {  	s6 =	sadd.s32 $0x400, s2;
	v2 =	vmov s2  }
0x1c: {  	vm1 =	vlt.s32 v0, s6;
	v2 =	vsub.s32 v0, v2  }
0x1d: {  	v3 =	vand.u32 $0x7F, v0;
	vm0 =	vmand vm0, vm1;
	v2 =	vand.u32 $0xFFFFFF80, v2  }
0x1e: {  	v2 =	vor.u32 v3, v2;
	_ =	sdelay $0x1  }
0x1f: {  	v3, _, _ =	vpop (xrf0)  }
0x20: {  	(v2sf) =	vpush v3, $0xF  }
0x21: {  	[tilespmem:s5+$0x4080] =	vst v1;
	s30 =	simm.s32 $0x4080  }
0x22: {  	s7 =	simm.s32 $0x0;
	[tilespmem:v2+s30+$0x0] =	vst.idx.msk vm0, v0  }
0x23: {  	v0 =	vld [tilespmem:s7+$0x4080];
	_ =	sdelay $0x4  }
0x24: {  	v0 =	vxor.u32 $0x80000000, v0  }
0x25: {  	(xrf0) =	vmax.scan.msk.u32 $0xffff, v0;
	_ =	sdelay $0x5  }
0x26: {  	v0, _, _ =	vpop (xrf0);
	s31 =	spop (v2sf)  }
0x27: {  	v1 =	vxor.u32 $0x80000000, v0;
	s5 =	sxor.u32 $0x80000000, s31  }
0x28: {  	v0 =	vlaneseq.u32;
	vm15 =	vgt.s32 v1, s5  }
0x29: {  	v2 =	vor.u32 s2, v0;
	v1 =	vnsel vm15, s5, v1  }
0x2a: {  	v2 =	vsub.s32 v2, v1;
	(v2sf) =	vpush v1, $0xF  }
0x2b: {  	s6 =	simm.s32 $0x80;
	s5 =	simm.s32 $0x10;
	[tilespmem:s7+$0x4080] =	vst v2  }
.LBB2_3:
0x2c: {  	p0 =	sne.s32 s6, $0xFC0;
	v1 =	vld [tilespmem:s5+$0x4080];
	_ =	sdelay $0x4  }
0x2d: {  	v1 =	vxor.u32 $0x80000000, v1  }
0x2e: {  	(xrf0) =	vmax.scan.msk.u32 $0xffff, v1;
	_ =	sdelay $0x5  }
0x2f: {  	v1, _, _ =	vpop (xrf0)  }
.Ltmp1:
0x30: {  	v1 =	vxor.u32 $0x80000000, v1;
	s7 =	spop (v2sf);
	(pc) =	sbr.rel @p0 .LBB2_3-.Ltmp1, $4  }
0x31: {  	s2 =	sadd.s32 $0x10, s2;
	vm0 =	vgt.s32 v1, s7  }
0x32: {  	v2 =	vor.u32 s2, v0;
	v1 =	vnsel vm0, s7, v1  }
0x33: {  	v2 =	vsub.s32 v2, v1;
	(v2sf) =	vpush v1, $0xF  }
0x34: {  	[tilespmem:s5+$0x4080] =	vst v2;
	s5 =	sshra.s32 s6, $0x2;
	s6 =	sadd.s32 $0x40, s6  }
0x35: {  	v1 =	vld [tilespmem:s5+$0x4080];
	_ =	sdelay $0x4  }
0x36: {  	v1 =	vxor.u32 $0x80000000, v1  }
0x37: {  	(xrf0) =	vmax.scan.msk.u32 $0xffff, v1;
	_ =	sdelay $0x5  }
0x38: {  	v1, _, _ =	vpop (xrf0)  }
0x39: {  	v1 =	vxor.u32 $0x80000000, v1;
	s6 =	spop (v2sf)  }
0x3a: {  	vm0 =	vgt.s32 v1, s6  }
0x3b: {  	v1 =	vnsel vm0, s6, v1  }
0x3c: {  	(v2sf) =	vpush v1, $0xF;
	_ =	sdelay $0xb  }
0x3d: {  	s2 =	sadd.s32 $0x10, s2  }
0x3e: {  	v0 =	vor.u32 s2, v0  }
0x3f: {  	v0 =	vsub.s32 v0, v1  }
0x40: {  	s2 =	simm.s32 $0x1;
	[tilespmem:s5+$0x4080] =	vst v0;
	s11 =	spop (v2sf)  }
0x41: {  	_ =	swait.ge [sflag:s2], $0x4000  }
0x42: {  	[sflag:s2] =	ssyncset.done $0x0  }
0x43: {  	[sflag:s2] =	ssyncadd.s32 $0xFFFFC000  }
0x44: {  	v61 =	vld [tilespmem:$0x4080];
	_ =	sdelay $0x5  }
0x45: {  	v62 =	vld [tilespmem:$0x4090]  }
0x46: {  	s12 =	simm.s32 $0x80  }
0x47: {  	v0 =	vld.idx.msk [tilespmem:v61+s12+$0x0], $0xffff;
	_ =	sdelay $0x3  }
0x48: {  	v2 =	vld [tilespmem:$0x40A0]  }
0x49: {  	[tilespmem:$0x4480] =	vst v0  }
0x4a: {  	v0 =	vld.idx.msk [tilespmem:v62+s12+$0x0], $0xffff;
	_ =	sdelay $0x3  }
0x4b: {  	v63 =	vld [tilespmem:$0x40B0]  }
0x4c: {  	[tilespmem:$0x4490] =	vst v0  }
0x4d: {  	v0 =	vld.idx.msk [tilespmem:v2+s12+$0x0], $0xffff;
	_ =	sdelay $0x3  }
0x4e: {  	v4 =	vld [tilespmem:$0x40C0]  }
0x4f: {  	[tilespmem:$0x44A0] =	vst v0  }
0x50: {  	v0 =	vld.idx.msk [tilespmem:v63+s12+$0x0], $0xffff;
	_ =	sdelay $0x3  }
0x51: {  	v5 =	vld [tilespmem:$0x40D0]  }
0x52: {  	[tilespmem:$0x44B0] =	vst v0  }
0x53: {  	v0 =	vld.idx.msk [tilespmem:v4+s12+$0x0], $0xffff;
	_ =	sdelay $0x3  }
0x54: {  	v6 =	vld [tilespmem:$0x40E0]  }
0x55: {  	[tilespmem:$0x44C0] =	vst v0  }
0x56: {  	v0 =	vld.idx.msk [tilespmem:v5+s12+$0x0], $0xffff;
	_ =	sdelay $0x3  }
0x57: {  	v7 =	vld [tilespmem:$0x40F0]  }
0x58: {  	[tilespmem:$0x44D0] =	vst v0  }
0x59: {  	v0 =	vld.idx.msk [tilespmem:v6+s12+$0x0], $0xffff;
	_ =	sdelay $0x4  }
0x5a: {  	[tilespmem:$0x44E0] =	vst v0  }
0x5b: {  	v0 =	vld.idx.msk [tilespmem:v7+s12+$0x0], $0xffff;
	_ =	sdelay $0x4  }
0x5c: {  	s4 =	sadd.s32 s3, s4;
	s13 =	simm.s32 $0x0;
	s14 =	simm.s32 $0x4480;
	[tilespmem:$0x44F0] =	vst v0  }
0x5d: {  	[hbm4b:s4+s13] =	stream.linear.scatter [tilespmem:s14], [sflag:$0x2], $0x80, $0x38;
	[tilespmem:$0x4880] =	vst v63  }
0x5e: {  	v8 =	vld [tilespmem:$0x4100];
	_ =	sdelay $0x5  }
0x5f: {  	v9 =	vld [tilespmem:$0x4110];
	_ =	sdelay $0x1  }
0x60: {  	v0 =	vld.idx.msk [tilespmem:v8+s12+$0x0], $0xffff;
	_ =	sdelay $0x3  }
0x61: {  	v10 =	vld [tilespmem:$0x4120]  }
0x62: {  	[tilespmem:$0x4500] =	vst v0  }
0x63: {  	v0 =	vld.idx.msk [tilespmem:v9+s12+$0x0], $0xffff;
	_ =	sdelay $0x3  }
0x64: {  	v11 =	vld [tilespmem:$0x4130]  }
0x65: {  	[tilespmem:$0x4510] =	vst v0  }
0x66: {  	v0 =	vld.idx.msk [tilespmem:v10+s12+$0x0], $0xffff;
	_ =	sdelay $0x3  }
0x67: {  	v12 =	vld [tilespmem:$0x4140]  }
0x68: {  	[tilespmem:$0x4520] =	vst v0  }
0x69: {  	v0 =	vld.idx.msk [tilespmem:v11+s12+$0x0], $0xffff;
	_ =	sdelay $0x3  }
0x6a: {  	v13 =	vld [tilespmem:$0x4150]  }
0x6b: {  	[tilespmem:$0x4530] =	vst v0  }
0x6c: {  	v0 =	vld.idx.msk [tilespmem:v12+s12+$0x0], $0xffff;
	_ =	sdelay $0x3  }
0x6d: {  	v14 =	vld [tilespmem:$0x4160]  }
0x6e: {  	[tilespmem:$0x4540] =	vst v0  }
0x6f: {  	v0 =	vld.idx.msk [tilespmem:v13+s12+$0x0], $0xffff;
	_ =	sdelay $0x3  }
0x70: {  	v15 =	vld [tilespmem:$0x4170]  }
0x71: {  	[tilespmem:$0x4550] =	vst v0  }
0x72: {  	v0 =	vld.idx.msk [tilespmem:v14+s12+$0x0], $0xffff;
	_ =	sdelay $0x4  }
0x73: {  	[tilespmem:$0x4560] =	vst v0  }
0x74: {  	v0 =	vld.idx.msk [tilespmem:v15+s12+$0x0], $0xffff;
	_ =	sdelay $0x4  }
0x75: {  	s16 =	simm.s32 $0x4500;
	s15 =	sadd.s32 $0x10, s4;
	[tilespmem:$0x4570] =	vst v0  }
0x76: {  	[hbm4b:s15+s13] =	stream.linear.scatter [tilespmem:s16], [sflag:$0x2], $0x80, $0x38;
	[tilespmem:$0x4880] =	vst v63  }
0x77: {  	v16 =	vld [tilespmem:$0x4180];
	_ =	sdelay $0x5  }
0x78: {  	v17 =	vld [tilespmem:$0x4190];
	_ =	sdelay $0x1  }
0x79: {  	v0 =	vld.idx.msk [tilespmem:v16+s12+$0x0], $0xffff;
	_ =	sdelay $0x3  }
0x7a: {  	v18 =	vld [tilespmem:$0x41A0]  }
0x7b: {  	[tilespmem:$0x4580] =	vst v0  }
0x7c: {  	v0 =	vld.idx.msk [tilespmem:v17+s12+$0x0], $0xffff;
	_ =	sdelay $0x3  }
0x7d: {  	v19 =	vld [tilespmem:$0x41B0]  }
0x7e: {  	[tilespmem:$0x4590] =	vst v0  }
0x7f: {  	v0 =	vld.idx.msk [tilespmem:v18+s12+$0x0], $0xffff;
	_ =	sdelay $0x3  }
0x80: {  	v20 =	vld [tilespmem:$0x41C0]  }
0x81: {  	[tilespmem:$0x45A0] =	vst v0  }
0x82: {  	v0 =	vld.idx.msk [tilespmem:v19+s12+$0x0], $0xffff;
	_ =	sdelay $0x3  }
0x83: {  	v21 =	vld [tilespmem:$0x41D0]  }
0x84: {  	[tilespmem:$0x45B0] =	vst v0  }
0x85: {  	v0 =	vld.idx.msk [tilespmem:v20+s12+$0x0], $0xffff;
	_ =	sdelay $0x3  }
0x86: {  	v22 =	vld [tilespmem:$0x41E0]  }
0x87: {  	[tilespmem:$0x45C0] =	vst v0  }
0x88: {  	v0 =	vld.idx.msk [tilespmem:v21+s12+$0x0], $0xffff;
	_ =	sdelay $0x3  }
0x89: {  	v23 =	vld [tilespmem:$0x41F0]  }
0x8a: {  	[tilespmem:$0x45D0] =	vst v0  }
0x8b: {  	v0 =	vld.idx.msk [tilespmem:v22+s12+$0x0], $0xffff;
	_ =	sdelay $0x4  }
0x8c: {  	[tilespmem:$0x45E0] =	vst v0  }
0x8d: {  	v0 =	vld.idx.msk [tilespmem:v23+s12+$0x0], $0xffff;
	_ =	sdelay $0x4  }
0x8e: {  	s18 =	simm.s32 $0x4580;
	s17 =	sadd.s32 $0x20, s4;
	[tilespmem:$0x45F0] =	vst v0  }
0x8f: {  	[hbm4b:s17+s13] =	stream.linear.scatter [tilespmem:s18], [sflag:$0x2], $0x80, $0x38;
	[tilespmem:$0x4880] =	vst v63  }
0x90: {  	v24 =	vld [tilespmem:$0x4200];
	_ =	sdelay $0x5  }
0x91: {  	v25 =	vld [tilespmem:$0x4210];
	_ =	sdelay $0x1  }
0x92: {  	v0 =	vld.idx.msk [tilespmem:v24+s12+$0x0], $0xffff;
	_ =	sdelay $0x3  }
0x93: {  	v26 =	vld [tilespmem:$0x4220]  }
0x94: {  	[tilespmem:$0x4600] =	vst v0  }
0x95: {  	v0 =	vld.idx.msk [tilespmem:v25+s12+$0x0], $0xffff;
	_ =	sdelay $0x3  }
0x96: {  	v27 =	vld [tilespmem:$0x4230]  }
0x97: {  	[tilespmem:$0x4610] =	vst v0  }
0x98: {  	v0 =	vld.idx.msk [tilespmem:v26+s12+$0x0], $0xffff;
	_ =	sdelay $0x3  }
0x99: {  	v28 =	vld [tilespmem:$0x4240]  }
0x9a: {  	[tilespmem:$0x4620] =	vst v0  }
0x9b: {  	v0 =	vld.idx.msk [tilespmem:v27+s12+$0x0], $0xffff;
	_ =	sdelay $0x3  }
0x9c: {  	v29 =	vld [tilespmem:$0x4250]  }
0x9d: {  	[tilespmem:$0x4630] =	vst v0  }
0x9e: {  	v0 =	vld.idx.msk [tilespmem:v28+s12+$0x0], $0xffff;
	_ =	sdelay $0x3  }
0x9f: {  	v30 =	vld [tilespmem:$0x4260]  }
0xa0: {  	[tilespmem:$0x4640] =	vst v0  }
0xa1: {  	v0 =	vld.idx.msk [tilespmem:v29+s12+$0x0], $0xffff;
	_ =	sdelay $0x3  }
0xa2: {  	v31 =	vld [tilespmem:$0x4270]  }
0xa3: {  	[tilespmem:$0x4650] =	vst v0  }
0xa4: {  	v0 =	vld.idx.msk [tilespmem:v30+s12+$0x0], $0xffff;
	_ =	sdelay $0x4  }
0xa5: {  	[tilespmem:$0x4660] =	vst v0  }
0xa6: {  	v0 =	vld.idx.msk [tilespmem:v31+s12+$0x0], $0xffff;
	_ =	sdelay $0x4  }
0xa7: {  	s20 =	simm.s32 $0x4600;
	s19 =	sadd.s32 $0x30, s4;
	[tilespmem:$0x4670] =	vst v0  }
0xa8: {  	[hbm4b:s19+s13] =	stream.linear.scatter [tilespmem:s20], [sflag:$0x2], $0x80, $0x38;
	[tilespmem:$0x4880] =	vst v63  }
0xa9: {  	v32 =	vld [tilespmem:$0x4280];
	_ =	sdelay $0x5  }
0xaa: {  	v33 =	vld [tilespmem:$0x4290];
	_ =	sdelay $0x1  }
0xab: {  	v0 =	vld.idx.msk [tilespmem:v32+s12+$0x0], $0xffff;
	_ =	sdelay $0x3  }
0xac: {  	v34 =	vld [tilespmem:$0x42A0]  }
0xad: {  	[tilespmem:$0x4680] =	vst v0  }
0xae: {  	v0 =	vld.idx.msk [tilespmem:v33+s12+$0x0], $0xffff;
	_ =	sdelay $0x3  }
0xaf: {  	v35 =	vld [tilespmem:$0x42B0]  }
0xb0: {  	[tilespmem:$0x4690] =	vst v0  }
0xb1: {  	v0 =	vld.idx.msk [tilespmem:v34+s12+$0x0], $0xffff;
	_ =	sdelay $0x3  }
0xb2: {  	v36 =	vld [tilespmem:$0x42C0]  }
0xb3: {  	[tilespmem:$0x46A0] =	vst v0  }
0xb4: {  	v0 =	vld.idx.msk [tilespmem:v35+s12+$0x0], $0xffff;
	_ =	sdelay $0x3  }
0xb5: {  	v37 =	vld [tilespmem:$0x42D0]  }
0xb6: {  	[tilespmem:$0x46B0] =	vst v0  }
0xb7: {  	v0 =	vld.idx.msk [tilespmem:v36+s12+$0x0], $0xffff;
	_ =	sdelay $0x3  }
0xb8: {  	v38 =	vld [tilespmem:$0x42E0]  }
0xb9: {  	[tilespmem:$0x46C0] =	vst v0  }
0xba: {  	v0 =	vld.idx.msk [tilespmem:v37+s12+$0x0], $0xffff;
	_ =	sdelay $0x3  }
0xbb: {  	v39 =	vld [tilespmem:$0x42F0]  }
0xbc: {  	[tilespmem:$0x46D0] =	vst v0  }
0xbd: {  	v0 =	vld.idx.msk [tilespmem:v38+s12+$0x0], $0xffff;
	_ =	sdelay $0x4  }
0xbe: {  	[tilespmem:$0x46E0] =	vst v0  }
0xbf: {  	v0 =	vld.idx.msk [tilespmem:v39+s12+$0x0], $0xffff;
	_ =	sdelay $0x4  }
0xc0: {  	s22 =	simm.s32 $0x4680;
	s21 =	sadd.s32 $0x40, s4;
	[tilespmem:$0x46F0] =	vst v0  }
0xc1: {  	[hbm4b:s21+s13] =	stream.linear.scatter [tilespmem:s22], [sflag:$0x2], $0x80, $0x38;
	[tilespmem:$0x4880] =	vst v63  }
0xc2: {  	v40 =	vld [tilespmem:$0x4300];
	_ =	sdelay $0x5  }
0xc3: {  	v41 =	vld [tilespmem:$0x4310];
	_ =	sdelay $0x1  }
0xc4: {  	v0 =	vld.idx.msk [tilespmem:v40+s12+$0x0], $0xffff;
	_ =	sdelay $0x3  }
0xc5: {  	v42 =	vld [tilespmem:$0x4320]  }
0xc6: {  	[tilespmem:$0x4700] =	vst v0  }
0xc7: {  	v0 =	vld.idx.msk [tilespmem:v41+s12+$0x0], $0xffff;
	_ =	sdelay $0x3  }
0xc8: {  	v43 =	vld [tilespmem:$0x4330]  }
0xc9: {  	[tilespmem:$0x4710] =	vst v0  }
0xca: {  	v0 =	vld.idx.msk [tilespmem:v42+s12+$0x0], $0xffff;
	_ =	sdelay $0x3  }
0xcb: {  	v44 =	vld [tilespmem:$0x4340]  }
0xcc: {  	[tilespmem:$0x4720] =	vst v0  }
0xcd: {  	v0 =	vld.idx.msk [tilespmem:v43+s12+$0x0], $0xffff;
	_ =	sdelay $0x3  }
0xce: {  	v45 =	vld [tilespmem:$0x4350]  }
0xcf: {  	[tilespmem:$0x4730] =	vst v0  }
0xd0: {  	v0 =	vld.idx.msk [tilespmem:v44+s12+$0x0], $0xffff;
	_ =	sdelay $0x3  }
0xd1: {  	v46 =	vld [tilespmem:$0x4360]  }
0xd2: {  	[tilespmem:$0x4740] =	vst v0  }
0xd3: {  	v0 =	vld.idx.msk [tilespmem:v45+s12+$0x0], $0xffff;
	_ =	sdelay $0x3  }
0xd4: {  	v47 =	vld [tilespmem:$0x4370]  }
0xd5: {  	[tilespmem:$0x4750] =	vst v0  }
0xd6: {  	v0 =	vld.idx.msk [tilespmem:v46+s12+$0x0], $0xffff;
	_ =	sdelay $0x4  }
0xd7: {  	[tilespmem:$0x4760] =	vst v0  }
0xd8: {  	v0 =	vld.idx.msk [tilespmem:v47+s12+$0x0], $0xffff;
	_ =	sdelay $0x4  }
0xd9: {  	s24 =	simm.s32 $0x4700;
	s23 =	sadd.s32 $0x50, s4;
	[tilespmem:$0x4770] =	vst v0  }
0xda: {  	[hbm4b:s23+s13] =	stream.linear.scatter [tilespmem:s24], [sflag:$0x2], $0x80, $0x38;
	[tilespmem:$0x4880] =	vst v63  }
0xdb: {  	v48 =	vld [tilespmem:$0x4380];
	_ =	sdelay $0x5  }
0xdc: {  	v49 =	vld [tilespmem:$0x4390];
	_ =	sdelay $0x1  }
0xdd: {  	v0 =	vld.idx.msk [tilespmem:v48+s12+$0x0], $0xffff;
	_ =	sdelay $0x3  }
0xde: {  	v50 =	vld [tilespmem:$0x43A0]  }
0xdf: {  	[tilespmem:$0x4780] =	vst v0  }
0xe0: {  	v0 =	vld.idx.msk [tilespmem:v49+s12+$0x0], $0xffff;
	_ =	sdelay $0x3  }
0xe1: {  	v51 =	vld [tilespmem:$0x43B0]  }
0xe2: {  	[tilespmem:$0x4790] =	vst v0  }
0xe3: {  	v0 =	vld.idx.msk [tilespmem:v50+s12+$0x0], $0xffff;
	_ =	sdelay $0x3  }
0xe4: {  	v52 =	vld [tilespmem:$0x43C0]  }
0xe5: {  	[tilespmem:$0x47A0] =	vst v0  }
0xe6: {  	v0 =	vld.idx.msk [tilespmem:v51+s12+$0x0], $0xffff;
	_ =	sdelay $0x3  }
0xe7: {  	v53 =	vld [tilespmem:$0x43D0]  }
0xe8: {  	[tilespmem:$0x47B0] =	vst v0  }
0xe9: {  	v0 =	vld.idx.msk [tilespmem:v52+s12+$0x0], $0xffff;
	_ =	sdelay $0x3  }
0xea: {  	v54 =	vld [tilespmem:$0x43E0]  }
0xeb: {  	[tilespmem:$0x47C0] =	vst v0  }
0xec: {  	v0 =	vld.idx.msk [tilespmem:v53+s12+$0x0], $0xffff;
	_ =	sdelay $0x3  }
0xed: {  	v55 =	vld [tilespmem:$0x43F0]  }
0xee: {  	[tilespmem:$0x47D0] =	vst v0  }
0xef: {  	v0 =	vld.idx.msk [tilespmem:v54+s12+$0x0], $0xffff;
	_ =	sdelay $0x4  }
0xf0: {  	[tilespmem:$0x47E0] =	vst v0  }
0xf1: {  	v0 =	vld.idx.msk [tilespmem:v55+s12+$0x0], $0xffff;
	_ =	sdelay $0x4  }
0xf2: {  	s26 =	simm.s32 $0x4780;
	s25 =	sadd.s32 $0x60, s4;
	[tilespmem:$0x47F0] =	vst v0  }
0xf3: {  	[hbm4b:s25+s13] =	stream.linear.scatter [tilespmem:s26], [sflag:$0x2], $0x80, $0x38;
	[tilespmem:$0x4880] =	vst v63  }
0xf4: {  	v56 =	vld [tilespmem:$0x4400];
	_ =	sdelay $0x5  }
0xf5: {  	v57 =	vld [tilespmem:$0x4410];
	_ =	sdelay $0x1  }
0xf6: {  	v0 =	vld.idx.msk [tilespmem:v56+s12+$0x0], $0xffff;
	_ =	sdelay $0x3  }
0xf7: {  	v58 =	vld [tilespmem:$0x4420]  }
0xf8: {  	[tilespmem:$0x4800] =	vst v0  }
0xf9: {  	v0 =	vld.idx.msk [tilespmem:v57+s12+$0x0], $0xffff;
	_ =	sdelay $0x3  }
0xfa: {  	v59 =	vld [tilespmem:$0x4430]  }
0xfb: {  	[tilespmem:$0x4810] =	vst v0  }
0xfc: {  	v0 =	vld.idx.msk [tilespmem:v58+s12+$0x0], $0xffff;
	_ =	sdelay $0x3  }
0xfd: {  	v60 =	vld [tilespmem:$0x4440]  }
0xfe: {  	[tilespmem:$0x4820] =	vst v0  }
0xff: {  	v0 =	vld.idx.msk [tilespmem:v59+s12+$0x0], $0xffff;
	_ =	sdelay $0x3  }
0x100: {  	v61 =	vld [tilespmem:$0x4450]  }
0x101: {  	[tilespmem:$0x4830] =	vst v0  }
0x102: {  	v0 =	vld.idx.msk [tilespmem:v60+s12+$0x0], $0xffff;
	_ =	sdelay $0x3  }
0x103: {  	v62 =	vld [tilespmem:$0x4460]  }
0x104: {  	[tilespmem:$0x4840] =	vst v0  }
0x105: {  	v0 =	vld.idx.msk [tilespmem:v61+s12+$0x0], $0xffff;
	_ =	sdelay $0x3  }
0x106: {  	v63 =	vld [tilespmem:$0x4470]  }
0x107: {  	[tilespmem:$0x4850] =	vst v0  }
0x108: {  	v0 =	vld.idx.msk [tilespmem:v62+s12+$0x0], $0xffff;
	_ =	sdelay $0x4  }
0x109: {  	[tilespmem:$0x4860] =	vst v0  }
0x10a: {  	v0 =	vld.idx.msk [tilespmem:v63+s12+$0x0], $0xffff;
	_ =	sdelay $0x4  }
0x10b: {  	s29 =	simm.s32 $0x4800;
	s30 =	simm.s32 $0x2;
	s28 =	sadd.s32 $0x70, s4;
	[tilespmem:$0x4870] =	vst v0  }
0x10c: {  	[hbm4b:s28+s13] =	stream.linear.scatter [tilespmem:s29], [sflag:$0x2], $0x80, $0x38;
	[tilespmem:$0x4880] =	vst v63  }
0x10d: {  	_ =	swait.ge [sflag:s30], $0x80  }
0x10e: {  	[sflag:s30] =	ssyncset.done $0x0  }
0x10f: {  	[sflag:s30] =	ssyncadd.s32 $0xFFFFFF80  }
0x110: {  	_ =	swait.ge [sflag:s30], $0x80  }
0x111: {  	[sflag:s30] =	ssyncset.done $0x0  }
0x112: {  	[sflag:s30] =	ssyncadd.s32 $0xFFFFFF80  }
0x113: {  	_ =	swait.ge [sflag:s30], $0x80  }
0x114: {  	[sflag:s30] =	ssyncset.done $0x0  }
0x115: {  	[sflag:s30] =	ssyncadd.s32 $0xFFFFFF80  }
0x116: {  	_ =	swait.ge [sflag:s30], $0x80  }
0x117: {  	[sflag:s30] =	ssyncset.done $0x0  }
0x118: {  	[sflag:s30] =	ssyncadd.s32 $0xFFFFFF80  }
0x119: {  	_ =	swait.ge [sflag:s30], $0x80  }
0x11a: {  	[sflag:s30] =	ssyncset.done $0x0  }
0x11b: {  	[sflag:s30] =	ssyncadd.s32 $0xFFFFFF80  }
0x11c: {  	_ =	swait.ge [sflag:s30], $0x80  }
0x11d: {  	[sflag:s30] =	ssyncset.done $0x0  }
0x11e: {  	[sflag:s30] =	ssyncadd.s32 $0xFFFFFF80  }
0x11f: {  	_ =	swait.ge [sflag:s30], $0x80  }
0x120: {  	[sflag:s30] =	ssyncset.done $0x0  }
0x121: {  	[sflag:s30] =	ssyncadd.s32 $0xFFFFFF80  }
0x122: {  	_ =	swait.ge [sflag:s30], $0x80  }
0x123: {  	[sflag:s30] =	ssyncset.done $0x0  }
0x124: {  	s31 =	simm.s32 $0x3;
	[sflag:s30] =	ssyncadd.s32 $0xFFFFFF80  }
0x125: {  	_ =	swait.ge [sflag:s31], $0x80  }
0x126: {  	[sflag:s31] =	ssyncset.done $0x0  }
0x127: {  	[sflag:s31] =	ssyncadd.s32 $0xFFFFFF80  }
0x128: {  	_ =	swait.ge [sflag:s31], $0x10  }
0x129: {  	[sflag:s31] =	ssyncset.done $0x0  }
0x12a: {  	[sflag:s31] =	ssyncadd.s32 $0xFFFFFFF0  }
0x12b: {  	_ =	sfence.sel $0x180000  }
0x12c: {  	[bflag:$0x0] =	sbarrier.arrive $0xFFFF  }
0x12d: {  	p0 =	sne.s32 s1, $0x0;
	_ =	strace $0x90000047  }
0x12e: {  	s0 =	sadd.s32 @!p0 $0x100000, s0;
	[bflag:$0x2] =	sbarrier.arrive $0xFFFF  }
0x12f: {  	[sflag:s0] =	ssyncadd.tile.s32 @!p0 $0x1;
	_ =	shalt  }
.Lfunc_end2:
_tile_overlayer_lowered:
.L_overlay_start_2:
0x130: {  	(tag) =	ssettag $0x2  }
0x131: {  	s0 =	rddreg [dreg:$0x0];
	s2 =	stileid.u32  }
0x132: {  	s1 =	rddreg [dreg:$0x1];
	p0 =	sne.s32 s2, $0x0  }
0x133: {  	s3 =	rddreg [dreg:$0x2];
	[bflag:$0x3] =	sbarrier.arrive $0xFFFF;
	s2 =	simm.s32 @!p0 $0x1C04  }
0x134: {  	[timem:s3], [sflag:s2] =	dma.local @!p0 [hbm:s0], s1  }
0x135: {  	s0 =	simm.s32 @!p0 $0x4  }
0x136: {  	_ =	swait.ge @!p0 [sflag:s0], s1  }
0x137: {  	s1 =	ssub.s32 @!p0 $0x0, s1;
	[sflag:s0] =	ssyncset.done @!p0 $0x0  }
0x138: {  	[sflag:s0] =	ssyncadd.s32 @!p0 s1  }
0x139: {  	[bflag:$0x3] =	sbarrier.arrive $0xFFFF  }
0x13a: {  	_ =	shalt  }

</sc_bundles>
